<compile_context>
chip_gen: v7x
topology: tpu7x:2x2x1
jax: 0.10.2.dev20260603
libtpu: 0.0.44.dev20260713+nightly
codegen_flags: <defaults>
</compile_context>

<pallas_src>
import functools

import jax
import jax.numpy as jnp
import numpy as np
from jax import lax
from jax.experimental import pallas as pl
from jax.experimental.pallas import tpu as pltpu
from jax.experimental.pallas import tpu_sc as plsc

_B, _S, _C = 4, 512, 48
_R = _B * _S
_P = _R
_NNEG = 5 * _P
_MARGIN = 0.3
_ALPHA = 0.5
_SMOOTH = 0.1
_BASE = _SMOOTH / (_C - 1)

_NW = 32
_GRP = _R // _NW
_CHUNK = _GRP * _S
_CAP = 12288
_PAD = 128
_TOTCAP = _CAP + _NW * _PAD
_ROWCAP = _CAP // _PAD
_PAD_SHIFT = _PAD.bit_length() - 1

_INT_MIN = np.int32(-2147483648)
_NEG_SENTINEL = -1.0e9


def _sort_key(i):
    return i ^ (lax.shift_right_arithmetic(i, 31) & 0x7FFFFFFF)


def _f32_key(x):
    return _sort_key(lax.bitcast_convert_type(x, jnp.int32))


def _stats_kernel(edge_ref, heads_ref, pos_ref, rowidx_ref, taub_ref,
                  tstats_ref):
    edge = edge_ref[...]
    heads = heads_ref[...]

    col = lax.broadcasted_iota(jnp.int32, (_NW, _GRP, _S), 2)
    sel = col == heads[:, :, None]
    pos = jnp.sum(jnp.where(sel, edge, 0.0), axis=2)

    keys = _f32_key(edge)
    pkeys = _f32_key(pos)

    def count_ge(t):
        return (jnp.sum((keys >= t).astype(jnp.int32))
                - jnp.sum((pkeys >= t).astype(jnp.int32)))

    t0 = jnp.where(count_ge(jnp.int32(0)) >= _NNEG, jnp.int32(0), _INT_MIN)

    def bs_body(k, t):
        trial = t + lax.shift_left(jnp.int32(1), jnp.int32(30) - k)
        return jnp.where(count_ge(trial) >= _NNEG, trial, t)

    tau = lax.fori_loop(0, 31, bs_body, t0)

    cnt_gt = (jnp.sum((keys > tau).astype(jnp.int32))
              - jnp.sum((pkeys > tau).astype(jnp.int32)))

    gt = (keys > tau).astype(jnp.int32)
    counts = jnp.sum(jnp.sum(gt, axis=2), axis=1, keepdims=True)
    rc = (counts + (_PAD - 1)) & (-_PAD)
    total = jnp.sum(rc)
    row = lax.broadcasted_iota(jnp.int32, (_NW, 1), 0)

    def off_body(wi, acc):
        pre = jnp.sum(jnp.where(row < wi, rc, 0))
        return jnp.where(row == wi, pre, acc)

    offs = lax.fori_loop(0, _NW, off_body, jnp.zeros((_NW, 1), jnp.int32))

    pos_ref[...] = pos
    colr = lax.broadcasted_iota(jnp.int32, (_NW, _ROWCAP), 1)
    rowidx_ref[...] = jnp.where(
        colr < lax.shift_right_logical(rc, _PAD_SHIFT),
        lax.shift_right_logical(offs, _PAD_SHIFT) + colr, -1)
    taub_ref[...] = jnp.full((1, 16), 0, jnp.int32) + tau
    lane = lax.broadcasted_iota(jnp.int32, (1, 128), 1)
    tstats_ref[...] = jnp.where(
        lane == 0, tau,
        jnp.where(lane == 1, cnt_gt, jnp.where(lane == 2, total, 0)))




def _sc_filter_body(edge_ref, tau_ref, staging_ref, vchunk, cbuf, tbuf):
    w = lax.axis_index("s") * 2 + lax.axis_index("c")

    pltpu.sync_copy(tau_ref, tbuf)
    tau_v = tbuf[...]

    pltpu.sync_copy(edge_ref.at[pl.ds(w * _CHUNK, _CHUNK)], vchunk)

    def fill_body(j, _):
        cbuf[pl.ds(j * 16, 16)] = jnp.full((16,), _NEG_SENTINEL, jnp.float32)
        return 0

    lax.fori_loop(0, _CAP // 16, fill_body, 0)

    def filt_body(j, wp):
        v1 = vchunk[pl.ds(j * 32, 16)]
        v2 = vchunk[pl.ds(j * 32 + 16, 16)]
        k1 = _sort_key(plsc.bitcast(v1, jnp.int32))
        k2 = _sort_key(plsc.bitcast(v2, jnp.int32))
        m1 = k1 > tau_v
        m2 = k2 > tau_v
        mi1 = m1.astype(jnp.int32)
        mi2 = m2.astype(jnp.int32)
        plsc.store_scatter(cbuf, [wp + plsc.cumsum(mi1) - 1], v1, mask=m1)
        wp1 = wp + jnp.sum(mi1)
        plsc.store_scatter(cbuf, [wp1 + plsc.cumsum(mi2) - 1], v2, mask=m2)
        return wp1 + jnp.sum(mi2)

    lax.fori_loop(0, _CHUNK // 32, filt_body, jnp.int32(0))

    pltpu.sync_copy(cbuf, staging_ref.at[pl.ds(w * _CAP, _CAP)])


def _sc_pack_body(staging_ref, rowidx_ref, compact_ref, sbuf, ridx, sem2):
    w = lax.axis_index("s") * 2 + lax.axis_index("c")

    pltpu.sync_copy(staging_ref.at[pl.ds(w * _ROWCAP, _ROWCAP)], sbuf)
    pltpu.sync_copy(rowidx_ref.at[pl.ds(w * _ROWCAP, _ROWCAP)], ridx)
    pltpu.async_copy(
        sbuf, compact_ref.at[plsc.Indices(ridx, ignored_value=-1)],
        sem2).wait()


def _sc_mesh():
    return plsc.VectorSubcoreMesh(core_axis_name="c", subcore_axis_name="s",
                                  num_cores=2, num_subcores=16)


@functools.cache
def _sc_filter():
    return pl.kernel(
        _sc_filter_body,
        out_type=jax.ShapeDtypeStruct((_NW * _CAP,), jnp.float32),
        mesh=_sc_mesh(),
        compiler_params=pltpu.CompilerParams(use_tc_tiling_on_sc=False,
                                             needs_layout_passes=False),
        scratch_types=[
            pltpu.VMEM((_CHUNK,), jnp.float32),
            pltpu.VMEM((_CAP,), jnp.float32),
            pltpu.VMEM((16,), jnp.int32),
        ],
    )


@functools.cache
def _sc_pack():
    return pl.kernel(
        _sc_pack_body,
        out_type=jax.ShapeDtypeStruct((_TOTCAP // _PAD, _PAD), jnp.float32),
        mesh=_sc_mesh(),
        compiler_params=pltpu.CompilerParams(use_tc_tiling_on_sc=False),
        scratch_types=[
            pltpu.VMEM((_ROWCAP, _PAD), jnp.float32),
            pltpu.VMEM((_ROWCAP,), jnp.int32),
            pltpu.SemaphoreType.DMA,
        ],
    )


_CHL = 32


def _label_kernel(labels_ref, heads_ref, gathered_ref):
    x3 = labels_ref[...]
    h = heads_ref[...]
    hsel = lax.broadcasted_iota(jnp.int32, (_CHL, 1, _S), 2) == h[:, :, None]
    gathered_ref[...] = jnp.sum(jnp.where(hsel, x3, 0.0), axis=2)


def _final_kernel(crow_ref, pos_col_ref, pos_row_ref, tstats_ref,
                  gathered_ref, gold_ref, out_ref):
    lane = lax.broadcasted_iota(jnp.int32, (1, 128), 1)
    tstats = tstats_ref[...]
    tau = jnp.sum(jnp.where(lane == 0, tstats, 0))
    cnt_gt = jnp.sum(jnp.where(lane == 1, tstats, 0))
    total = jnp.sum(jnp.where(lane == 2, tstats, 0))
    ties = (_NNEG - cnt_gt).astype(jnp.float32)
    tau_f = lax.bitcast_convert_type(_sort_key(tau), jnp.float32)

    pos_col = pos_col_ref[...]
    pos_row = pos_row_ref[...]

    def pair_body(k, acc_row):
        c = crow_ref[:, pl.ds(k * 128, 128)]
        gidx = k * 128 + lax.broadcasted_iota(jnp.int32, (1, 128), 1)
        c = jnp.where(gidx < total, c, _NEG_SENTINEL)
        part = jnp.sum(jnp.maximum(c + (_MARGIN - pos_col), 0.0),
                       axis=0, keepdims=True)
        return acc_row + part

    nchunks = lax.shift_right_logical(total + 127, 7)
    acc_row = lax.fori_loop(0, nchunks, pair_body,
                            jnp.zeros((1, 128), jnp.float32))
    acc = jnp.sum(acc_row)

    gp_row = jnp.where(_f32_key(pos_row) > tau, pos_row, _NEG_SENTINEL)
    acc = acc - jnp.sum(jnp.maximum(gp_row + (_MARGIN - pos_col), 0.0))
    acc = acc + ties * jnp.sum(jnp.maximum(tau_f + (_MARGIN - pos_col), 0.0))

    margin_loss = acc / jnp.float32(_P * _NNEG)

    g = gathered_ref[...]
    tgt = gold_ref[...]
    m = jnp.max(g, axis=1, keepdims=True)
    lse = m + jnp.log(jnp.sum(jnp.exp(g - m), axis=1, keepdims=True))
    sum_logp = jnp.sum(g, axis=1, keepdims=True) - _C * lse
    clane = lax.broadcasted_iota(jnp.int32, (_R, _C), 1)
    xt = jnp.sum(jnp.where(clane == tgt, g, 0.0), axis=1, keepdims=True)
    logp_t = xt - lse
    row_loss = -(_BASE * sum_logp) - (1.0 - _SMOOTH - _BASE) * logp_t
    label_loss = jnp.sum(row_loss) / jnp.float32(_R)

    out_ref[...] = jnp.full((1, 1),
                            _ALPHA * margin_loss + (1.0 - _ALPHA) * label_loss,
                            jnp.float32)


@jax.jit
def kernel(edge_scores, label_scores, gold_heads, gold_labels):
    edge3 = edge_scores.reshape(_NW, _GRP, _S)
    heads2 = gold_heads.reshape(_NW, _GRP)
    gold2 = gold_labels.reshape(_R, 1)
    labels_t = label_scores.transpose(0, 1, 3, 2).reshape(_R, _C, _S)
    edge_flat = edge_scores.reshape(_R * _S)

    pos, rowidx, taub, tstats = pl.pallas_call(
        _stats_kernel,
        out_shape=(
            jax.ShapeDtypeStruct((_NW, _GRP), jnp.float32),
            jax.ShapeDtypeStruct((_NW, _ROWCAP), jnp.int32),
            jax.ShapeDtypeStruct((1, 16), jnp.int32),
            jax.ShapeDtypeStruct((1, 128), jnp.int32),
        ),
    )(edge3, heads2)

    staging = _sc_filter()(edge_flat, taub.reshape(16))

    gathered = pl.pallas_call(
        _label_kernel,
        grid=(_R // _CHL,),
        in_specs=[
            pl.BlockSpec((_CHL, _C, _S), lambda i: (i, 0, 0)),
            pl.BlockSpec((_CHL, 1), lambda i: (i, 0)),
        ],
        out_specs=pl.BlockSpec((_CHL, _C), lambda i: (i, 0)),
        out_shape=jax.ShapeDtypeStruct((_R, _C), jnp.float32),
    )(labels_t, gold_heads.reshape(_R, 1))

    compact = _sc_pack()(staging.reshape(_NW * _ROWCAP, _PAD),
                         rowidx.reshape(_NW * _ROWCAP))

    out = pl.pallas_call(
        _final_kernel,
        out_shape=jax.ShapeDtypeStruct((1, 1), jnp.float32),
    )(compact.reshape(1, _TOTCAP), pos.reshape(_P, 1), pos.reshape(1, _P),
      tstats, gathered, gold2)

    return out[0, 0]

# --- scband reference (transcript-rebuilt; emitter-appended) ---
"""Pipeline reference for scband-arc-margin-loss-33071248179218 (READ-ONLY COPY).

The authoritative reference and input builder live on the scoring server;
editing this copy changes nothing except your own understanding.
"""

import jax, jax.numpy as jnp
import numpy as np

B, S, C = 4, 512, 48
MARGIN = 0.3
ALPHA = 0.5
SMOOTH = 0.1


def setup_inputs(seed: int = 0) -> dict:
    key = jax.random.key(seed)
    k1, k2, k3, k4 = jax.random.split(key, 4)
    return {
        "edge_scores": jax.random.normal(k1, (B, S, S), dtype=jnp.float32),
        "label_scores": jax.random.normal(k2, (B, S, S, C), dtype=jnp.float32),
        "gold_heads": jax.random.randint(k3, (B, S), 0, S, dtype=jnp.int32),
        "gold_labels": jax.random.randint(k4, (B, S), 0, C, dtype=jnp.int32),
    }


def reference(edge_scores, label_scores, gold_heads, gold_labels):
    # All gold_heads are in [0, S) (no ignore_index present), so valid_mask is all-True
    # and shapes are static.
    heads = jnp.clip(gold_heads, 0, S - 1)  # [B, S]

    # positive scores: edge_scores[b, s, heads[b, s]]
    pos_scores = jnp.take_along_axis(edge_scores, heads[:, :, None], axis=2)[:, :, 0]
    pos_scores = pos_scores.reshape(-1)  # [B*S]

    # pos mask (one True per (b, s) row)
    pos_mask = heads[:, :, None] == jnp.arange(S)[None, None, :]  # [B, S, S] bool

    # negative scores = all non-positive entries; select top num_neg
    num_pos = B * S
    num_neg = 5 * num_pos  # min(5*P, B*S*(S-1)) = 5*P here
    neg_masked = jnp.where(pos_mask, -jnp.inf, edge_scores).reshape(-1)
    neg_scores, _ = jax.lax.top_k(neg_masked, num_neg)  # [num_neg], sorted desc

    margin_loss = jnp.mean(jax.nn.relu(neg_scores[None, :] - pos_scores[:, None] + MARGIN))

    # gather label scores at gold head positions: [B, S, C]
    idx = jnp.broadcast_to(heads[:, :, None, None], (B, S, 1, C))
    gathered = jnp.take_along_axis(label_scores, idx, axis=2)[:, :, 0, :]

    x = gathered.reshape(B * S, C)
    tgt = gold_labels.reshape(-1)
    log_probs = jax.nn.log_softmax(x, axis=-1)
    base = SMOOTH / (C - 1)
    true_dist = jnp.full((B * S, C), base, dtype=log_probs.dtype)
    true_dist = true_dist.at[jnp.arange(B * S), tgt].set(1.0 - SMOOTH)
    label_loss = jnp.mean(-jnp.sum(true_dist * log_probs, axis=-1))

    return ALPHA * margin_loss + (1.0 - ALPHA) * label_loss

if __name__ == "__main__":
    import jax
    _d = setup_inputs()
    print(jax.jit(kernel)(*tuple(_d.values())))

</pallas_src>

<mosaic_0001>
#map = affine_map<(d0, d1) -> (0)>
module attributes {stable_mosaic.version = 14 : i64} {
  func.func @_sc_filter_body(%arg0: i32, %arg1: i32, %arg2: memref<1048576xf32, #tpu.memory_space<hbm>>, %arg3: memref<16xi32, #tpu.memory_space<hbm>>, %arg4: memref<393216xf32, #tpu.memory_space<hbm>>, %arg5: memref<32768xf32, #tpu.memory_space<vmem>>, %arg6: memref<12288xf32, #tpu.memory_space<vmem>>, %arg7: memref<16xi32, #tpu.memory_space<vmem>>) attributes {dimension_semantics = [#tpu.dimension_semantics<core_parallel>, #tpu.dimension_semantics<subcore_parallel>], iteration_bounds = array<i64: 2, 16>, scalar_prefetch = 0 : i64, scratch_operands = 3 : i64, tpu.core_type = #tpu.core_type<sc_vector_subcore>, window_params = [{transform_indices = #map}, {transform_indices = #map}, {transform_indices = #map}]} {
    %mul3A = arith.constant 2 : i32
    %mul3A_0 = arith.muli %arg1, %mul3A : i32
    %add3A = arith.addi %mul3A_0, %arg0 : i32
    "tpu.region"() ({
      %run_scoped3A = tpu.sem_alloc : memref<!tpu.dma_semaphore, #tpu.memory_space<semaphore_mem>>
      tpu.enqueue_dma source(%arg3 : memref<16xi32, #tpu.memory_space<hbm>>) target(%arg7 : memref<16xi32, #tpu.memory_space<vmem>>) target_semaphore(%run_scoped3A : memref<!tpu.dma_semaphore, #tpu.memory_space<semaphore_mem>>)
      tpu.wait_dma2 semaphore(%run_scoped3A : memref<!tpu.dma_semaphore, #tpu.memory_space<semaphore_mem>>) src(%arg3 : memref<16xi32, #tpu.memory_space<hbm>>) dst(%arg7 : memref<16xi32, #tpu.memory_space<vmem>>)
      tpu.yield
    }) : () -> ()
    %get3A = arith.constant 0 : index
    %get3A_1 = tpu.vector_load %arg7[%get3A] {strides = array<i32>} : memref<16xi32, #tpu.memory_space<vmem>>, vector<16xi32>,
    %mul3A_2 = arith.constant 32768 : i32
    %mul3A_3 = arith.muli %add3A, %mul3A_2 : i32
    "tpu.region"() ({
      %run_scoped3A = tpu.sem_alloc : memref<!tpu.dma_semaphore, #tpu.memory_space<semaphore_mem>>
      %dma_start3A = tpu.memref_slice %arg2[%mul3A_3] : memref<1048576xf32, #tpu.memory_space<hbm>> -> memref<32768xf32, #tpu.memory_space<hbm>>
      %dma_start3A_19 = tpu.memref_slice %arg2[%mul3A_3] : memref<1048576xf32, #tpu.memory_space<hbm>> -> memref<32768xf32, #tpu.memory_space<hbm>>
      tpu.enqueue_dma source(%dma_start3A_19 : memref<32768xf32, #tpu.memory_space<hbm>>) target(%arg5 : memref<32768xf32, #tpu.memory_space<vmem>>) target_semaphore(%run_scoped3A : memref<!tpu.dma_semaphore, #tpu.memory_space<semaphore_mem>>)
      %dma_wait3A = tpu.memref_slice %arg2[%mul3A_3] : memref<1048576xf32, #tpu.memory_space<hbm>> -> memref<32768xf32, #tpu.memory_space<hbm>>
      %dma_wait3A_20 = tpu.memref_slice %arg2[%mul3A_3] : memref<1048576xf32, #tpu.memory_space<hbm>> -> memref<32768xf32, #tpu.memory_space<hbm>>
      tpu.wait_dma2 semaphore(%run_scoped3A : memref<!tpu.dma_semaphore, #tpu.memory_space<semaphore_mem>>) src(%dma_wait3A_20 : memref<32768xf32, #tpu.memory_space<hbm>>) dst(%arg5 : memref<32768xf32, #tpu.memory_space<vmem>>)
      tpu.yield
    }) : () -> ()
    %scan3A = arith.constant 0 : i32
    %scan3A_4 = arith.constant 0 : i32
    %scan3A_5 = arith.constant 768 : i32
    %scan3A_6 = arith.addi %scan3A_4, %scan3A_5 : i32
    %scan3A_7 = arith.constant 1 : i32
    %scan3A_8 = scf.for %scan3A_19 = %scan3A_4 to %scan3A_6 step %scan3A_7 iter_args(%scan3A_20 = %scan3A) -> (i32)  : i32 {
      %broadcast_in_dim3A = arith.constant -1.000000e+09 : f32
      %broadcast_in_dim3A_21 = vector.broadcast %broadcast_in_dim3A : f32 to vector<16xf32>
      %mul3A_22 = arith.constant 16 : i32
      %mul3A_23 = arith.muli %scan3A_19, %mul3A_22 : i32
      %swap3A = arith.index_cast %mul3A_23 : i32 to index
      %swap3A_24 = tpu.vector_load %arg6[%swap3A] {strides = array<i32>} : memref<12288xf32, #tpu.memory_space<vmem>>, vector<16xf32>,
      tpu.vector_store %arg6[%swap3A], %broadcast_in_dim3A_21 {strides = array<i32>} : memref<12288xf32, #tpu.memory_space<vmem>>, vector<16xf32>,
      %scan3A_25 = arith.constant 0 : i32
      scf.yield %scan3A_25 : i32
    }
    %scan3A_9 = arith.constant 768 : i32
    %scan3A_10 = arith.constant 0 : i32
    %scan3A_11 = arith.constant 0 : i32
    %scan3A_12 = arith.constant 1024 : i32
    %scan3A_13 = arith.addi %scan3A_11, %scan3A_12 : i32
    %scan3A_14 = arith.constant 1 : i32
    %scan3A_15 = scf.for %scan3A_19 = %scan3A_11 to %scan3A_13 step %scan3A_14 iter_args(%scan3A_20 = %scan3A_10) -> (i32)  : i32 {
      %mul3A_21 = arith.constant 32 : i32
      %mul3A_22 = arith.muli %scan3A_19, %mul3A_21 : i32
      %get3A_23 = arith.index_cast %mul3A_22 : i32 to index
      %get3A_24 = tpu.vector_load %arg5[%get3A_23] {strides = array<i32>} : memref<32768xf32, #tpu.memory_space<vmem>>, vector<16xf32>,
      %mul3A_25 = arith.constant 32 : i32
      %mul3A_26 = arith.muli %scan3A_19, %mul3A_25 : i32
      %add3A_27 = arith.constant 16 : i32
      %add3A_28 = arith.addi %mul3A_26, %add3A_27 : i32
      %get3A_29 = arith.index_cast %add3A_28 : i32 to index
      %get3A_30 = tpu.vector_load %arg5[%get3A_29] {strides = array<i32>} : memref<32768xf32, #tpu.memory_space<vmem>>, vector<16xf32>,
      %bitcast3A = vector.bitcast %get3A_24 : vector<16xf32> to vector<16xi32>
      %shift_right_arithmetic3A = arith.constant 31 : i32
      %shift_right_arithmetic3A_31 = vector.broadcast %shift_right_arithmetic3A : i32 to vector<16xi32>
      %shift_right_arithmetic3A_32 = arith.shrsi %bitcast3A, %shift_right_arithmetic3A_31 : vector<16xi32>
      %and3A = arith.constant 2147483647 : i32
      %and3A_33 = vector.broadcast %and3A : i32 to vector<16xi32>
      %and3A_34 = arith.andi %shift_right_arithmetic3A_32, %and3A_33 : vector<16xi32>
      %xor3A = arith.xori %bitcast3A, %and3A_34 : vector<16xi32>
      %bitcast3A_35 = vector.bitcast %get3A_30 : vector<16xf32> to vector<16xi32>
      %shift_right_arithmetic3A_36 = arith.constant 31 : i32
      %shift_right_arithmetic3A_37 = vector.broadcast %shift_right_arithmetic3A_36 : i32 to vector<16xi32>
      %shift_right_arithmetic3A_38 = arith.shrsi %bitcast3A_35, %shift_right_arithmetic3A_37 : vector<16xi32>
      %and3A_39 = arith.constant 2147483647 : i32
      %and3A_40 = vector.broadcast %and3A_39 : i32 to vector<16xi32>
      %and3A_41 = arith.andi %shift_right_arithmetic3A_38, %and3A_40 : vector<16xi32>
      %xor3A_42 = arith.xori %bitcast3A_35, %and3A_41 : vector<16xi32>
      %gt3A = arith.cmpi sgt, %xor3A, %get3A_1 : vector<16xi32>
      %gt3A_43 = arith.cmpi sgt, %xor3A_42, %get3A_1 : vector<16xi32>
      %convert_element_type3A = arith.extui %gt3A : vector<16xi1> to vector<16xi32>
      %convert_element_type3A_44 = arith.extui %gt3A_43 : vector<16xi1> to vector<16xi32>
      %broadcast_in_dim3A = arith.constant true
      %broadcast_in_dim3A_45 = vector.broadcast %broadcast_in_dim3A : i1 to vector<16xi1>
      %masked_cumsum3A = tpu.scan <sum>, %convert_element_type3A masked %broadcast_in_dim3A_45 : vector<16xi32>, vector<16xi1> -> vector<16xi32>
      %add3A_46 = vector.broadcast %scan3A_20 : i32 to vector<16xi32>
      %add3A_47 = arith.addi %add3A_46, %masked_cumsum3A : vector<16xi32>
      %sub3A = arith.constant 1 : i32
      %sub3A_48 = vector.broadcast %sub3A : i32 to vector<16xi32>
      %sub3A_49 = arith.subi %add3A_47, %sub3A_48 : vector<16xi32>
      tpu.vector_store_idx %arg6[%sub3A_49], %get3A_24 masked %gt3A : memref<12288xf32, #tpu.memory_space<vmem>>[vector<16xi32>], vector<16xf32>, vector<16xi1>
      %reduce_sum3A = arith.constant true
      %reduce_sum3A_50 = vector.broadcast %reduce_sum3A : i1 to vector<16xi1>
      %reduce_sum3A_51 = tpu.scan <sum>, %convert_element_type3A masked %reduce_sum3A_50 : vector<16xi32>, vector<16xi1> -> vector<16xi32>
      %reduce_sum3A_52 = vector.extract %reduce_sum3A_51[15] : i32 from vector<16xi32>
      %add3A_53 = arith.addi %scan3A_20, %reduce_sum3A_52 : i32
      %broadcast_in_dim3A_54 = arith.constant true
      %broadcast_in_dim3A_55 = vector.broadcast %broadcast_in_dim3A_54 : i1 to vector<16xi1>
      %masked_cumsum3A_56 = tpu.scan <sum>, %convert_element_type3A_44 masked %broadcast_in_dim3A_55 : vector<16xi32>, vector<16xi1> -> vector<16xi32>
      %add3A_57 = vector.broadcast %add3A_53 : i32 to vector<16xi32>
      %add3A_58 = arith.addi %add3A_57, %masked_cumsum3A_56 : vector<16xi32>
      %sub3A_59 = arith.constant 1 : i32
      %sub3A_60 = vector.broadcast %sub3A_59 : i32 to vector<16xi32>
      %sub3A_61 = arith.subi %add3A_58, %sub3A_60 : vector<16xi32>
      tpu.vector_store_idx %arg6[%sub3A_61], %get3A_30 masked %gt3A_43 : memref<12288xf32, #tpu.memory_space<vmem>>[vector<16xi32>], vector<16xf32>, vector<16xi1>
      %reduce_sum3A_62 = arith.constant true
      %reduce_sum3A_63 = vector.broadcast %reduce_sum3A_62 : i1 to vector<16xi1>
      %reduce_sum3A_64 = tpu.scan <sum>, %convert_element_type3A_44 masked %reduce_sum3A_63 : vector<16xi32>, vector<16xi1> -> vector<16xi32>
      %reduce_sum3A_65 = vector.extract %reduce_sum3A_64[15] : i32 from vector<16xi32>
      %add3A_66 = arith.addi %add3A_53, %reduce_sum3A_65 : i32
      scf.yield %add3A_66 : i32
    }
    %scan3A_16 = arith.constant 1024 : i32
    %mul3A_17 = arith.constant 12288 : i32
    %mul3A_18 = arith.muli %add3A, %mul3A_17 : i32
    "tpu.region"() ({
      %run_scoped3A = tpu.sem_alloc : memref<!tpu.dma_semaphore, #tpu.memory_space<semaphore_mem>>
      %dma_start3A = tpu.memref_slice %arg4[%mul3A_18] : memref<393216xf32, #tpu.memory_space<hbm>> -> memref<12288xf32, #tpu.memory_space<hbm>>
      %dma_start3A_19 = tpu.memref_slice %arg4[%mul3A_18] : memref<393216xf32, #tpu.memory_space<hbm>> -> memref<12288xf32, #tpu.memory_space<hbm>>
      tpu.enqueue_dma source(%arg6 : memref<12288xf32, #tpu.memory_space<vmem>>) target(%dma_start3A_19 : memref<12288xf32, #tpu.memory_space<hbm>>) target_semaphore(%run_scoped3A : memref<!tpu.dma_semaphore, #tpu.memory_space<semaphore_mem>>)
      %dma_wait3A = tpu.memref_slice %arg4[%mul3A_18] : memref<393216xf32, #tpu.memory_space<hbm>> -> memref<12288xf32, #tpu.memory_space<hbm>>
      %dma_wait3A_20 = tpu.memref_slice %arg4[%mul3A_18] : memref<393216xf32, #tpu.memory_space<hbm>> -> memref<12288xf32, #tpu.memory_space<hbm>>
      tpu.wait_dma2 semaphore(%run_scoped3A : memref<!tpu.dma_semaphore, #tpu.memory_space<semaphore_mem>>) src(%arg6 : memref<12288xf32, #tpu.memory_space<vmem>>) dst(%dma_wait3A_20 : memref<12288xf32, #tpu.memory_space<hbm>>)
      tpu.yield
    }) : () -> ()
    return
  }
}

#map = affine_map<(d0, d1) -> (0, 0)>
#map1 = affine_map<(d0, d1) -> (0)>
module attributes {stable_mosaic.version = 14 : i64} {
  func.func @_sc_pack_body(%arg0: i32, %arg1: i32, %arg2: memref<3072x128xf32, #tpu.memory_space<hbm>>, %arg3: memref<3072xi32, #tpu.memory_space<hbm>>, %arg4: memref<128x128xf32, #tpu.memory_space<hbm>>, %arg5: memref<96x128xf32, #tpu.memory_space<vmem>>, %arg6: memref<96xi32, #tpu.memory_space<vmem>>, %arg7: memref<!tpu.dma_semaphore, #tpu.memory_space<semaphore_mem>>) attributes {dimension_semantics = [#tpu.dimension_semantics<core_parallel>, #tpu.dimension_semantics<subcore_parallel>], iteration_bounds = array<i64: 2, 16>, scalar_prefetch = 0 : i64, scratch_operands = 3 : i64, tpu.core_type = #tpu.core_type<sc_vector_subcore>, window_params = [{transform_indices = #map}, {transform_indices = #map1}, {transform_indices = #map}]} {
    %mul3A = arith.constant 2 : i32
    %mul3A_0 = arith.muli %arg1, %mul3A : i32
    %add3A = arith.addi %mul3A_0, %arg0 : i32
    %mul3A_1 = arith.constant 96 : i32
    %mul3A_2 = arith.muli %add3A, %mul3A_1 : i32
    "tpu.region"() ({
      %run_scoped3A = tpu.sem_alloc : memref<!tpu.dma_semaphore, #tpu.memory_space<semaphore_mem>>
      %dma_start3A_10 = arith.constant 0 : i32
      %dma_start3A_11 = tpu.memref_slice %arg2[%mul3A_2, %dma_start3A_10] : memref<3072x128xf32, #tpu.memory_space<hbm>> -> memref<96x128xf32, #tpu.memory_space<hbm>>
      %dma_start3A_12 = arith.constant 0 : i32
      %dma_start3A_13 = tpu.memref_slice %arg2[%mul3A_2, %dma_start3A_12] : memref<3072x128xf32, #tpu.memory_space<hbm>> -> memref<96x128xf32, #tpu.memory_space<hbm>>
      tpu.enqueue_dma source(%dma_start3A_13 : memref<96x128xf32, #tpu.memory_space<hbm>>) target(%arg5 : memref<96x128xf32, #tpu.memory_space<vmem>>) target_semaphore(%run_scoped3A : memref<!tpu.dma_semaphore, #tpu.memory_space<semaphore_mem>>)
      %dma_wait3A_14 = arith.constant 0 : i32
      %dma_wait3A_15 = tpu.memref_slice %arg2[%mul3A_2, %dma_wait3A_14] : memref<3072x128xf32, #tpu.memory_space<hbm>> -> memref<96x128xf32, #tpu.memory_space<hbm>>
      %dma_wait3A_16 = arith.constant 0 : i32
      %dma_wait3A_17 = tpu.memref_slice %arg2[%mul3A_2, %dma_wait3A_16] : memref<3072x128xf32, #tpu.memory_space<hbm>> -> memref<96x128xf32, #tpu.memory_space<hbm>>
      tpu.wait_dma2 semaphore(%run_scoped3A : memref<!tpu.dma_semaphore, #tpu.memory_space<semaphore_mem>>) src(%dma_wait3A_17 : memref<96x128xf32, #tpu.memory_space<hbm>>) dst(%arg5 : memref<96x128xf32, #tpu.memory_space<vmem>>)
      tpu.yield
    }) : () -> ()
    %mul3A_3 = arith.constant 96 : i32
    %mul3A_4 = arith.muli %add3A, %mul3A_3 : i32
    "tpu.region"() ({
      %run_scoped3A = tpu.sem_alloc : memref<!tpu.dma_semaphore, #tpu.memory_space<semaphore_mem>>
      %dma_start3A_10 = tpu.memref_slice %arg3[%mul3A_4] : memref<3072xi32, #tpu.memory_space<hbm>> -> memref<96xi32, #tpu.memory_space<hbm>>
      %dma_start3A_11 = tpu.memref_slice %arg3[%mul3A_4] : memref<3072xi32, #tpu.memory_space<hbm>> -> memref<96xi32, #tpu.memory_space<hbm>>
      tpu.enqueue_dma source(%dma_start3A_11 : memref<96xi32, #tpu.memory_space<hbm>>) target(%arg6 : memref<96xi32, #tpu.memory_space<vmem>>) target_semaphore(%run_scoped3A : memref<!tpu.dma_semaphore, #tpu.memory_space<semaphore_mem>>)
      %dma_wait3A_12 = tpu.memref_slice %arg3[%mul3A_4] : memref<3072xi32, #tpu.memory_space<hbm>> -> memref<96xi32, #tpu.memory_space<hbm>>
      %dma_wait3A_13 = tpu.memref_slice %arg3[%mul3A_4] : memref<3072xi32, #tpu.memory_space<hbm>> -> memref<96xi32, #tpu.memory_space<hbm>>
      tpu.wait_dma2 semaphore(%run_scoped3A : memref<!tpu.dma_semaphore, #tpu.memory_space<semaphore_mem>>) src(%dma_wait3A_13 : memref<96xi32, #tpu.memory_space<hbm>>) dst(%arg6 : memref<96xi32, #tpu.memory_space<vmem>>)
      tpu.yield
    }) : () -> ()
    %dma_start3A = arith.constant 0 : i32
    %dma_start3A_5 = arith.constant 0 : i32
    %dma_start3A_6 = tpu.memref_slice %arg4[%dma_start3A, %dma_start3A_5] : memref<128x128xf32, #tpu.memory_space<hbm>> -> memref<128x128xf32, #tpu.memory_space<hbm>>
    %dma_start3A_7 = arith.constant -1 : i32
    tpu.enqueue_indirect_dma source(%arg5 : memref<96x128xf32, #tpu.memory_space<vmem>>) target(%dma_start3A_6 : memref<128x128xf32, #tpu.memory_space<hbm>>) offsets(%arg6 : memref<96xi32, #tpu.memory_space<vmem>>) offset_filter(%dma_start3A_7) semaphore(%arg7 : memref<!tpu.dma_semaphore, #tpu.memory_space<semaphore_mem>>)
    %dma_wait3A = arith.constant 0 : i32
    %dma_wait3A_8 = arith.constant 0 : i32
    %dma_wait3A_9 = tpu.memref_slice %arg4[%dma_wait3A, %dma_wait3A_8] : memref<128x128xf32, #tpu.memory_space<hbm>> -> memref<128x128xf32, #tpu.memory_space<hbm>>
    tpu.wait_indirect_dma semaphore(%arg7 : memref<!tpu.dma_semaphore, #tpu.memory_space<semaphore_mem>>) src(%arg5 : memref<96x128xf32, #tpu.memory_space<vmem>>) dst(%dma_wait3A_9 : memref<128x128xf32, #tpu.memory_space<hbm>>)
    return
  }
}

module attributes {stable_mosaic.version = 14 : i64} {
  func.func @_stats_kernel(%arg0: memref<32x64x512xf32, #tpu.memory_space<vmem>>, %arg1: memref<32x64xi32, #tpu.memory_space<vmem>>, %arg2: memref<32x64xf32, #tpu.memory_space<vmem>>, %arg3: memref<32x96xi32, #tpu.memory_space<vmem>>, %arg4: memref<1x16xi32, #tpu.memory_space<vmem>>, %arg5: memref<1x128xi32, #tpu.memory_space<vmem>>) attributes {dimension_semantics = [], scalar_prefetch = 0 : i64, scratch_operands = 0 : i64, tpu.core_type = #tpu.core_type<tc>} {
    %get3A = arith.constant 0 : index
    %get3A_0 = arith.constant 0 : index
    %get3A_1 = arith.constant 0 : index
    %get3A_2 = vector.load %arg0[%get3A, %get3A_0, %get3A_1] : memref<32x64x512xf32, #tpu.memory_space<vmem>>, vector<32x64x512xf32>
    %get3A_3 = arith.constant 0 : index
    %get3A_4 = arith.constant 0 : index
    %get3A_5 = vector.load %arg1[%get3A_3, %get3A_4] : memref<32x64xi32, #tpu.memory_space<vmem>>, vector<32x64xi32>
    %iota3A = tpu.iota {dimensions = array<i32: 2>} : vector<32x64x512xi32>
    %broadcast_in_dim3A = vector.shape_cast %get3A_5 : vector<32x64xi32> to vector<32x64x1xi32>
    %eq3A = vector.broadcast %broadcast_in_dim3A : vector<32x64x1xi32> to vector<32x64x512xi32>
    %eq3A_6 = arith.cmpi eq, %iota3A, %eq3A : vector<32x64x512xi32>
    %jit3A = arith.constant 0.000000e+00 : f32
    %broadcast_in_dim3A_7 = vector.broadcast %jit3A : f32 to vector<32x64x512xf32>
    %select_n3A = arith.select %eq3A_6, %get3A_2, %broadcast_in_dim3A_7 : vector<32x64x512xi1>, vector<32x64x512xf32>
    %reduce_sum3A = arith.constant dense<0.000000e+00> : vector<32x64xf32>
    %reduce_sum3A_8 = vector.multi_reduction <add>, %select_n3A, %reduce_sum3A [2] : vector<32x64x512xf32> to vector<32x64xf32>
    %bitcast_convert_type3A = tpu.bitcast %get3A_2 : vector<32x64x512xf32> -> vector<32x64x512xi32>
    %shift_right_arithmetic3A = arith.constant 31 : i32
    %shift_right_arithmetic3A_9 = vector.broadcast %shift_right_arithmetic3A : i32 to vector<32x64x512xi32>
    %shift_right_arithmetic3A_10 = arith.shrsi %bitcast_convert_type3A, %shift_right_arithmetic3A_9 : vector<32x64x512xi32>
    %and3A = arith.constant 2147483647 : i32
    %and3A_11 = vector.broadcast %and3A : i32 to vector<32x64x512xi32>
    %and3A_12 = arith.andi %shift_right_arithmetic3A_10, %and3A_11 : vector<32x64x512xi32>
    %xor3A = arith.xori %bitcast_convert_type3A, %and3A_12 : vector<32x64x512xi32>
    %bitcast_convert_type3A_13 = tpu.bitcast %reduce_sum3A_8 : vector<32x64xf32> -> vector<32x64xi32>
    %shift_right_arithmetic3A_14 = arith.constant 31 : i32
    %shift_right_arithmetic3A_15 = vector.broadcast %shift_right_arithmetic3A_14 : i32 to vector<32x64xi32>
    %shift_right_arithmetic3A_16 = arith.shrsi %bitcast_convert_type3A_13, %shift_right_arithmetic3A_15 : vector<32x64xi32>
    %and3A_17 = arith.constant 2147483647 : i32
    %and3A_18 = vector.broadcast %and3A_17 : i32 to vector<32x64xi32>
    %and3A_19 = arith.andi %shift_right_arithmetic3A_16, %and3A_18 : vector<32x64xi32>
    %xor3A_20 = arith.xori %bitcast_convert_type3A_13, %and3A_19 : vector<32x64xi32>
    %ge3A = arith.constant 0 : i32
    %ge3A_21 = vector.broadcast %ge3A : i32 to vector<32x64x512xi32>
    %ge3A_22 = arith.cmpi sge, %xor3A, %ge3A_21 : vector<32x64x512xi32>
    %convert_element_type3A = arith.extui %ge3A_22 : vector<32x64x512xi1> to vector<32x64x512xi32>
    %reduce_sum3A_23 = vector.shape_cast %convert_element_type3A : vector<32x64x512xi32> to vector<1x32x64x512xi32>
    %reduce_sum3A_24 = arith.constant dense<0> : vector<1xi32>
    %reduce_sum3A_25 = vector.multi_reduction <add>, %reduce_sum3A_23, %reduce_sum3A_24 [1, 2, 3] : vector<1x32x64x512xi32> to vector<1xi32>
    %reduce_sum3A_26 = vector.shape_cast %reduce_sum3A_25 : vector<1xi32> to vector<1x1x1x1xi32>
    %reduce_sum3A_27 = vector.extract %reduce_sum3A_26[0, 0, 0, 0] : i32 from vector<1x1x1x1xi32>
    %ge3A_28 = arith.constant 0 : i32
    %ge3A_29 = vector.broadcast %ge3A_28 : i32 to vector<32x64xi32>
    %ge3A_30 = arith.cmpi sge, %xor3A_20, %ge3A_29 : vector<32x64xi32>
    %convert_element_type3A_31 = arith.extui %ge3A_30 : vector<32x64xi1> to vector<32x64xi32>
    %reduce_sum3A_32 = vector.shape_cast %convert_element_type3A_31 : vector<32x64xi32> to vector<1x32x64xi32>
    %reduce_sum3A_33 = arith.constant dense<0> : vector<1xi32>
    %reduce_sum3A_34 = vector.multi_reduction <add>, %reduce_sum3A_32, %reduce_sum3A_33 [1, 2] : vector<1x32x64xi32> to vector<1xi32>
    %reduce_sum3A_35 = vector.shape_cast %reduce_sum3A_34 : vector<1xi32> to vector<1x1x1xi32>
    %reduce_sum3A_36 = vector.extract %reduce_sum3A_35[0, 0, 0] : i32 from vector<1x1x1xi32>
    %sub3A = arith.subi %reduce_sum3A_27, %reduce_sum3A_36 : i32
    %ge3A_37 = arith.constant 10240 : i32
    %ge3A_38 = arith.cmpi sge, %sub3A, %ge3A_37 : i32
    %jit3A_39 = arith.constant 0 : i32
    %jit3A_40 = arith.constant -2147483648 : i32
    %select_n3A_41 = arith.select %ge3A_38, %jit3A_39, %jit3A_40 : i32
    %scan3A = arith.constant 0 : i32
    %scan3A_42 = arith.constant 31 : i32
    %scan3A_43 = arith.addi %scan3A, %scan3A_42 : i32
    %scan3A_44 = arith.constant 1 : i32
    %scan3A_45 = scf.for %scan3A_135 = %scan3A to %scan3A_43 step %scan3A_44 iter_args(%scan3A_136 = %select_n3A_41) -> (i32)  : i32 {
      %sub3A_137 = arith.constant 30 : i32
      %sub3A_138 = arith.subi %sub3A_137, %scan3A_135 : i32
      %shift_left3A = arith.constant 1 : i32
      %shift_left3A_139 = arith.shli %shift_left3A, %sub3A_138 : i32
      %add3A_140 = arith.addi %scan3A_136, %shift_left3A_139 : i32
      %ge3A_141 = vector.broadcast %add3A_140 : i32 to vector<32x64x512xi32>
      %ge3A_142 = arith.cmpi sge, %xor3A, %ge3A_141 : vector<32x64x512xi32>
      %convert_element_type3A_143 = arith.extui %ge3A_142 : vector<32x64x512xi1> to vector<32x64x512xi32>
      %reduce_sum3A_144 = vector.shape_cast %convert_element_type3A_143 : vector<32x64x512xi32> to vector<1x32x64x512xi32>
      %reduce_sum3A_145 = arith.constant dense<0> : vector<1xi32>
      %reduce_sum3A_146 = vector.multi_reduction <add>, %reduce_sum3A_144, %reduce_sum3A_145 [1, 2, 3] : vector<1x32x64x512xi32> to vector<1xi32>
      %reduce_sum3A_147 = vector.shape_cast %reduce_sum3A_146 : vector<1xi32> to vector<1x1x1x1xi32>
      %reduce_sum3A_148 = vector.extract %reduce_sum3A_147[0, 0, 0, 0] : i32 from vector<1x1x1x1xi32>
      %ge3A_149 = vector.broadcast %add3A_140 : i32 to vector<32x64xi32>
      %ge3A_150 = arith.cmpi sge, %xor3A_20, %ge3A_149 : vector<32x64xi32>
      %convert_element_type3A_151 = arith.extui %ge3A_150 : vector<32x64xi1> to vector<32x64xi32>
      %reduce_sum3A_152 = vector.shape_cast %convert_element_type3A_151 : vector<32x64xi32> to vector<1x32x64xi32>
      %reduce_sum3A_153 = arith.constant dense<0> : vector<1xi32>
      %reduce_sum3A_154 = vector.multi_reduction <add>, %reduce_sum3A_152, %reduce_sum3A_153 [1, 2] : vector<1x32x64xi32> to vector<1xi32>
      %reduce_sum3A_155 = vector.shape_cast %reduce_sum3A_154 : vector<1xi32> to vector<1x1x1xi32>
      %reduce_sum3A_156 = vector.extract %reduce_sum3A_155[0, 0, 0] : i32 from vector<1x1x1xi32>
      %sub3A_157 = arith.subi %reduce_sum3A_148, %reduce_sum3A_156 : i32
      %ge3A_158 = arith.constant 10240 : i32
      %ge3A_159 = arith.cmpi sge, %sub3A_157, %ge3A_158 : i32
      %select_n3A_160 = arith.select %ge3A_159, %add3A_140, %scan3A_136 : i32
      scf.yield %select_n3A_160 : i32
    }
    %scan3A_46 = arith.constant 31 : i32
    %gt3A = vector.broadcast %scan3A_45 : i32 to vector<32x64x512xi32>
    %gt3A_47 = arith.cmpi sgt, %xor3A, %gt3A : vector<32x64x512xi32>
    %convert_element_type3A_48 = arith.extui %gt3A_47 : vector<32x64x512xi1> to vector<32x64x512xi32>
    %reduce_sum3A_49 = vector.shape_cast %convert_element_type3A_48 : vector<32x64x512xi32> to vector<1x32x64x512xi32>
    %reduce_sum3A_50 = arith.constant dense<0> : vector<1xi32>
    %reduce_sum3A_51 = vector.multi_reduction <add>, %reduce_sum3A_49, %reduce_sum3A_50 [1, 2, 3] : vector<1x32x64x512xi32> to vector<1xi32>
    %reduce_sum3A_52 = vector.shape_cast %reduce_sum3A_51 : vector<1xi32> to vector<1x1x1x1xi32>
    %reduce_sum3A_53 = vector.extract %reduce_sum3A_52[0, 0, 0, 0] : i32 from vector<1x1x1x1xi32>
    %gt3A_54 = vector.broadcast %scan3A_45 : i32 to vector<32x64xi32>
    %gt3A_55 = arith.cmpi sgt, %xor3A_20, %gt3A_54 : vector<32x64xi32>
    %convert_element_type3A_56 = arith.extui %gt3A_55 : vector<32x64xi1> to vector<32x64xi32>
    %reduce_sum3A_57 = vector.shape_cast %convert_element_type3A_56 : vector<32x64xi32> to vector<1x32x64xi32>
    %reduce_sum3A_58 = arith.constant dense<0> : vector<1xi32>
    %reduce_sum3A_59 = vector.multi_reduction <add>, %reduce_sum3A_57, %reduce_sum3A_58 [1, 2] : vector<1x32x64xi32> to vector<1xi32>
    %reduce_sum3A_60 = vector.shape_cast %reduce_sum3A_59 : vector<1xi32> to vector<1x1x1xi32>
    %reduce_sum3A_61 = vector.extract %reduce_sum3A_60[0, 0, 0] : i32 from vector<1x1x1xi32>
    %sub3A_62 = arith.subi %reduce_sum3A_53, %reduce_sum3A_61 : i32
    %gt3A_63 = vector.broadcast %scan3A_45 : i32 to vector<32x64x512xi32>
    %gt3A_64 = arith.cmpi sgt, %xor3A, %gt3A_63 : vector<32x64x512xi32>
    %convert_element_type3A_65 = arith.extui %gt3A_64 : vector<32x64x512xi1> to vector<32x64x512xi32>
    %reduce_sum3A_66 = arith.constant dense<0> : vector<32x64xi32>
    %reduce_sum3A_67 = vector.multi_reduction <add>, %convert_element_type3A_65, %reduce_sum3A_66 [2] : vector<32x64x512xi32> to vector<32x64xi32>
    %reduce_sum3A_68 = arith.constant dense<0> : vector<32xi32>
    %reduce_sum3A_69 = vector.multi_reduction <add>, %reduce_sum3A_67, %reduce_sum3A_68 [1] : vector<32x64xi32> to vector<32xi32>
    %broadcast_in_dim3A_70 = vector.shape_cast %reduce_sum3A_69 : vector<32xi32> to vector<32x1xi32>
    %add3A = arith.constant 127 : i32
    %add3A_71 = vector.broadcast %add3A : i32 to vector<32x1xi32>
    %add3A_72 = arith.addi %broadcast_in_dim3A_70, %add3A_71 : vector<32x1xi32>
    %and3A_73 = arith.constant -128 : i32
    %and3A_74 = vector.broadcast %and3A_73 : i32 to vector<32x1xi32>
    %and3A_75 = arith.andi %add3A_72, %and3A_74 : vector<32x1xi32>
    %reduce_sum3A_76 = vector.shape_cast %and3A_75 : vector<32x1xi32> to vector<1x32x1xi32>
    %reduce_sum3A_77 = arith.constant dense<0> : vector<1xi32>
    %reduce_sum3A_78 = vector.multi_reduction <add>, %reduce_sum3A_76, %reduce_sum3A_77 [1, 2] : vector<1x32x1xi32> to vector<1xi32>
    %reduce_sum3A_79 = vector.shape_cast %reduce_sum3A_78 : vector<1xi32> to vector<1x1x1xi32>
    %reduce_sum3A_80 = vector.extract %reduce_sum3A_79[0, 0, 0] : i32 from vector<1x1x1xi32>
    %iota3A_81 = tpu.iota {dimensions = array<i32: 0>} : vector<32x1xi32>
    %broadcast_in_dim3A_82 = arith.constant 0 : i32
    %broadcast_in_dim3A_83 = vector.broadcast %broadcast_in_dim3A_82 : i32 to vector<32x1xi32>
    %scan3A_84 = arith.constant 0 : i32
    %scan3A_85 = arith.constant 32 : i32
    %scan3A_86 = arith.addi %scan3A_84, %scan3A_85 : i32
    %scan3A_87 = arith.constant 1 : i32
    %scan3A_88 = scf.for %scan3A_135 = %scan3A_84 to %scan3A_86 step %scan3A_87 iter_args(%scan3A_136 = %broadcast_in_dim3A_83) -> (vector<32x1xi32>)  : i32 {
      %lt3A_137 = vector.broadcast %scan3A_135 : i32 to vector<32x1xi32>
      %lt3A_138 = arith.cmpi slt, %iota3A_81, %lt3A_137 : vector<32x1xi32>
      %jit3A_139 = arith.constant 0 : i32
      %broadcast_in_dim3A_140 = vector.broadcast %jit3A_139 : i32 to vector<32x1xi32>
      %select_n3A_141 = arith.select %lt3A_138, %and3A_75, %broadcast_in_dim3A_140 : vector<32x1xi1>, vector<32x1xi32>
      %reduce_sum3A_142 = vector.shape_cast %select_n3A_141 : vector<32x1xi32> to vector<1x32x1xi32>
      %reduce_sum3A_143 = arith.constant dense<0> : vector<1xi32>
      %reduce_sum3A_144 = vector.multi_reduction <add>, %reduce_sum3A_142, %reduce_sum3A_143 [1, 2] : vector<1x32x1xi32> to vector<1xi32>
      %reduce_sum3A_145 = vector.shape_cast %reduce_sum3A_144 : vector<1xi32> to vector<1x1x1xi32>
      %reduce_sum3A_146 = vector.extract %reduce_sum3A_145[0, 0, 0] : i32 from vector<1x1x1xi32>
      %eq3A_147 = vector.broadcast %scan3A_135 : i32 to vector<32x1xi32>
      %eq3A_148 = arith.cmpi eq, %iota3A_81, %eq3A_147 : vector<32x1xi32>
      %broadcast_in_dim3A_149 = vector.broadcast %reduce_sum3A_146 : i32 to vector<32x1xi32>
      %select_n3A_150 = arith.select %eq3A_148, %broadcast_in_dim3A_149, %scan3A_136 : vector<32x1xi1>, vector<32x1xi32>
      scf.yield %select_n3A_150 : vector<32x1xi32>
    }
    %scan3A_89 = arith.constant 32 : i32
    %swap3A = arith.constant 0 : index
    %swap3A_90 = arith.constant 0 : index
    %swap3A_91 = vector.load %arg2[%swap3A, %swap3A_90] : memref<32x64xf32, #tpu.memory_space<vmem>>, vector<32x64xf32>
    tpu.vector_store %arg2[%swap3A, %swap3A_90], %reduce_sum3A_8 {strides = array<i32>} : memref<32x64xf32, #tpu.memory_space<vmem>>, vector<32x64xf32>,
    %iota3A_92 = tpu.iota {dimensions = array<i32: 1>} : vector<32x96xi32>
    %shift_right_logical3A = arith.constant 7 : i32
    %shift_right_logical3A_93 = vector.broadcast %shift_right_logical3A : i32 to vector<32x1xi32>
    %shift_right_logical3A_94 = arith.shrui %and3A_75, %shift_right_logical3A_93 : vector<32x1xi32>
    %lt3A = vector.broadcast %shift_right_logical3A_94 : vector<32x1xi32> to vector<32x96xi32>
    %lt3A_95 = arith.cmpi slt, %iota3A_92, %lt3A : vector<32x96xi32>
    %shift_right_logical3A_96 = arith.constant 7 : i32
    %shift_right_logical3A_97 = vector.broadcast %shift_right_logical3A_96 : i32 to vector<32x1xi32>
    %shift_right_logical3A_98 = arith.shrui %scan3A_88, %shift_right_logical3A_97 : vector<32x1xi32>
    %add3A_99 = vector.broadcast %shift_right_logical3A_98 : vector<32x1xi32> to vector<32x96xi32>
    %add3A_100 = arith.addi %add3A_99, %iota3A_92 : vector<32x96xi32>
    %jit3A_101 = arith.constant -1 : i32
    %broadcast_in_dim3A_102 = vector.broadcast %jit3A_101 : i32 to vector<32x96xi32>
    %select_n3A_103 = arith.select %lt3A_95, %add3A_100, %broadcast_in_dim3A_102 : vector<32x96xi1>, vector<32x96xi32>
    %swap3A_104 = arith.constant 0 : index
    %swap3A_105 = arith.constant 0 : index
    %swap3A_106 = vector.load %arg3[%swap3A_104, %swap3A_105] : memref<32x96xi32, #tpu.memory_space<vmem>>, vector<32x96xi32>
    tpu.vector_store %arg3[%swap3A_104, %swap3A_105], %select_n3A_103 {strides = array<i32>} : memref<32x96xi32, #tpu.memory_space<vmem>>, vector<32x96xi32>,
    %broadcast_in_dim3A_107 = arith.constant 0 : i32
    %broadcast_in_dim3A_108 = vector.broadcast %broadcast_in_dim3A_107 : i32 to vector<1x16xi32>
    %add3A_109 = vector.broadcast %scan3A_45 : i32 to vector<1x16xi32>
    %add3A_110 = arith.addi %broadcast_in_dim3A_108, %add3A_109 : vector<1x16xi32>
    %swap3A_111 = arith.constant 0 : index
    %swap3A_112 = arith.constant 0 : index
    %swap3A_113 = vector.load %arg4[%swap3A_111, %swap3A_112] : memref<1x16xi32, #tpu.memory_space<vmem>>, vector<1x16xi32>
    tpu.vector_store %arg4[%swap3A_111, %swap3A_112], %add3A_110 {strides = array<i32>} : memref<1x16xi32, #tpu.memory_space<vmem>>, vector<1x16xi32>,
    %iota3A_114 = tpu.iota {dimensions = array<i32: 1>} : vector<1x128xi32>
    %eq3A_115 = arith.constant 0 : i32
    %eq3A_116 = vector.broadcast %eq3A_115 : i32 to vector<1x128xi32>
    %eq3A_117 = arith.cmpi eq, %iota3A_114, %eq3A_116 : vector<1x128xi32>
    %eq3A_118 = arith.constant 1 : i32
    %eq3A_119 = vector.broadcast %eq3A_118 : i32 to vector<1x128xi32>
    %eq3A_120 = arith.cmpi eq, %iota3A_114, %eq3A_119 : vector<1x128xi32>
    %eq3A_121 = arith.constant 2 : i32
    %eq3A_122 = vector.broadcast %eq3A_121 : i32 to vector<1x128xi32>
    %eq3A_123 = arith.cmpi eq, %iota3A_114, %eq3A_122 : vector<1x128xi32>
    %jit3A_124 = arith.constant 0 : i32
    %broadcast_in_dim3A_125 = vector.broadcast %reduce_sum3A_80 : i32 to vector<1x128xi32>
    %broadcast_in_dim3A_126 = vector.broadcast %jit3A_124 : i32 to vector<1x128xi32>
    %select_n3A_127 = arith.select %eq3A_123, %broadcast_in_dim3A_125, %broadcast_in_dim3A_126 : vector<1x128xi1>, vector<1x128xi32>
    %broadcast_in_dim3A_128 = vector.broadcast %sub3A_62 : i32 to vector<1x128xi32>
    %select_n3A_129 = arith.select %eq3A_120, %broadcast_in_dim3A_128, %select_n3A_127 : vector<1x128xi1>, vector<1x128xi32>
    %broadcast_in_dim3A_130 = vector.broadcast %scan3A_45 : i32 to vector<1x128xi32>
    %select_n3A_131 = arith.select %eq3A_117, %broadcast_in_dim3A_130, %select_n3A_129 : vector<1x128xi1>, vector<1x128xi32>
    %swap3A_132 = arith.constant 0 : index
    %swap3A_133 = arith.constant 0 : index
    %swap3A_134 = vector.load %arg5[%swap3A_132, %swap3A_133] : memref<1x128xi32, #tpu.memory_space<vmem>>, vector<1x128xi32>
    tpu.vector_store %arg5[%swap3A_132, %swap3A_133], %select_n3A_131 {strides = array<i32>} : memref<1x128xi32, #tpu.memory_space<vmem>>, vector<1x128xi32>,
    return
  }
}

module attributes {stable_mosaic.version = 14 : i64} {
  func.func @_label_kernel(%arg0: i32, %arg1: memref<32x48x512xf32, #tpu.memory_space<vmem>>, %arg2: memref<32x1xi32, #tpu.memory_space<vmem>>, %arg3: memref<32x48xf32, #tpu.memory_space<vmem>>) attributes {dimension_semantics = [#tpu.dimension_semantics<arbitrary>], iteration_bounds = array<i64: 64>, scalar_prefetch = 0 : i64, scratch_operands = 0 : i64, tpu.core_type = #tpu.core_type<tc>, window_params = [{transform_indices = @transform_0, window_bounds = array<i64: 32, 48, 512>}, {transform_indices = @transform_1, window_bounds = array<i64: 32, 1>}, {transform_indices = @transform_2, window_bounds = array<i64: 32, 48>}]} {
    %get3A = arith.constant 0 : index
    %get3A_0 = arith.constant 0 : index
    %get3A_1 = arith.constant 0 : index
    %get3A_2 = vector.load %arg1[%get3A, %get3A_0, %get3A_1] : memref<32x48x512xf32, #tpu.memory_space<vmem>>, vector<32x48x512xf32>
    %get3A_3 = arith.constant 0 : index
    %get3A_4 = arith.constant 0 : index
    %get3A_5 = vector.load %arg2[%get3A_3, %get3A_4] : memref<32x1xi32, #tpu.memory_space<vmem>>, vector<32x1xi32>
    %iota3A = tpu.iota {dimensions = array<i32: 2>} : vector<32x1x512xi32>
    %broadcast_in_dim3A = vector.shape_cast %get3A_5 : vector<32x1xi32> to vector<32x1x1xi32>
    %eq3A = vector.broadcast %broadcast_in_dim3A : vector<32x1x1xi32> to vector<32x1x512xi32>
    %eq3A_6 = arith.cmpi eq, %iota3A, %eq3A : vector<32x1x512xi32>
    %jit3A = arith.constant 0.000000e+00 : f32
    %broadcast_in_dim3A_7 = vector.shape_cast %eq3A_6 : vector<32x1x512xi1> to vector<32x1x512xi1>
    %broadcast_in_dim3A_8 = vector.broadcast %broadcast_in_dim3A_7 : vector<32x1x512xi1> to vector<32x48x512xi1>
    %broadcast_in_dim3A_9 = vector.broadcast %jit3A : f32 to vector<32x48x512xf32>
    %select_n3A = arith.select %broadcast_in_dim3A_8, %get3A_2, %broadcast_in_dim3A_9 : vector<32x48x512xi1>, vector<32x48x512xf32>
    %reduce_sum3A = arith.constant dense<0.000000e+00> : vector<32x48xf32>
    %reduce_sum3A_10 = vector.multi_reduction <add>, %select_n3A, %reduce_sum3A [2] : vector<32x48x512xf32> to vector<32x48xf32>
    %swap3A = arith.constant 0 : index
    %swap3A_11 = arith.constant 0 : index
    %swap3A_12 = vector.load %arg3[%swap3A, %swap3A_11] : memref<32x48xf32, #tpu.memory_space<vmem>>, vector<32x48xf32>
    tpu.vector_store %arg3[%swap3A, %swap3A_11], %reduce_sum3A_10 {strides = array<i32>} : memref<32x48xf32, #tpu.memory_space<vmem>>, vector<32x48xf32>,
    return
  }
  func.func @transform_0(%arg0: i32) -> (i32, i32, i32) {
    %c0_i32 = arith.constant 0 : i32
    %c0_i32_0 = arith.constant 0 : i32
    %c0_i32_1 = arith.constant 0 : i32
    return %arg0, %c0_i32, %c0_i32_0 : i32, i32, i32
  }
  func.func @transform_1(%arg0: i32) -> (i32, i32) {
    %c0_i32 = arith.constant 0 : i32
    %c0_i32_0 = arith.constant 0 : i32
    return %arg0, %c0_i32 : i32, i32
  }
  func.func @transform_2(%arg0: i32) -> (i32, i32) {
    %c0_i32 = arith.constant 0 : i32
    %c0_i32_0 = arith.constant 0 : i32
    return %arg0, %c0_i32 : i32, i32
  }
}

module attributes {stable_mosaic.version = 14 : i64} {
  func.func @_final_kernel(%arg0: memref<1x16384xf32, #tpu.memory_space<vmem>>, %arg1: memref<2048x1xf32, #tpu.memory_space<vmem>>, %arg2: memref<1x2048xf32, #tpu.memory_space<vmem>>, %arg3: memref<1x128xi32, #tpu.memory_space<vmem>>, %arg4: memref<2048x48xf32, #tpu.memory_space<vmem>>, %arg5: memref<2048x1xi32, #tpu.memory_space<vmem>>, %arg6: memref<1x1xf32, #tpu.memory_space<vmem>>) attributes {dimension_semantics = [], scalar_prefetch = 0 : i64, scratch_operands = 0 : i64, tpu.core_type = #tpu.core_type<tc>} {
    %iota3A = tpu.iota {dimensions = array<i32: 1>} : vector<1x128xi32>
    %get3A = arith.constant 0 : index
    %get3A_0 = arith.constant 0 : index
    %get3A_1 = vector.load %arg3[%get3A, %get3A_0] : memref<1x128xi32, #tpu.memory_space<vmem>>, vector<1x128xi32>
    %eq3A = arith.constant 0 : i32
    %eq3A_2 = vector.broadcast %eq3A : i32 to vector<1x128xi32>
    %eq3A_3 = arith.cmpi eq, %iota3A, %eq3A_2 : vector<1x128xi32>
    %jit3A = arith.constant 0 : i32
    %broadcast_in_dim3A = vector.broadcast %jit3A : i32 to vector<1x128xi32>
    %select_n3A = arith.select %eq3A_3, %get3A_1, %broadcast_in_dim3A : vector<1x128xi1>, vector<1x128xi32>
    %reduce_sum3A = vector.shape_cast %select_n3A : vector<1x128xi32> to vector<1x1x128xi32>
    %reduce_sum3A_4 = arith.constant dense<0> : vector<1xi32>
    %reduce_sum3A_5 = vector.multi_reduction <add>, %reduce_sum3A, %reduce_sum3A_4 [1, 2] : vector<1x1x128xi32> to vector<1xi32>
    %reduce_sum3A_6 = vector.shape_cast %reduce_sum3A_5 : vector<1xi32> to vector<1x1x1xi32>
    %reduce_sum3A_7 = vector.extract %reduce_sum3A_6[0, 0, 0] : i32 from vector<1x1x1xi32>
    %eq3A_8 = arith.constant 1 : i32
    %eq3A_9 = vector.broadcast %eq3A_8 : i32 to vector<1x128xi32>
    %eq3A_10 = arith.cmpi eq, %iota3A, %eq3A_9 : vector<1x128xi32>
    %jit3A_11 = arith.constant 0 : i32
    %broadcast_in_dim3A_12 = vector.broadcast %jit3A_11 : i32 to vector<1x128xi32>
    %select_n3A_13 = arith.select %eq3A_10, %get3A_1, %broadcast_in_dim3A_12 : vector<1x128xi1>, vector<1x128xi32>
    %reduce_sum3A_14 = vector.shape_cast %select_n3A_13 : vector<1x128xi32> to vector<1x1x128xi32>
    %reduce_sum3A_15 = arith.constant dense<0> : vector<1xi32>
    %reduce_sum3A_16 = vector.multi_reduction <add>, %reduce_sum3A_14, %reduce_sum3A_15 [1, 2] : vector<1x1x128xi32> to vector<1xi32>
    %reduce_sum3A_17 = vector.shape_cast %reduce_sum3A_16 : vector<1xi32> to vector<1x1x1xi32>
    %reduce_sum3A_18 = vector.extract %reduce_sum3A_17[0, 0, 0] : i32 from vector<1x1x1xi32>
    %eq3A_19 = arith.constant 2 : i32
    %eq3A_20 = vector.broadcast %eq3A_19 : i32 to vector<1x128xi32>
    %eq3A_21 = arith.cmpi eq, %iota3A, %eq3A_20 : vector<1x128xi32>
    %jit3A_22 = arith.constant 0 : i32
    %broadcast_in_dim3A_23 = vector.broadcast %jit3A_22 : i32 to vector<1x128xi32>
    %select_n3A_24 = arith.select %eq3A_21, %get3A_1, %broadcast_in_dim3A_23 : vector<1x128xi1>, vector<1x128xi32>
    %reduce_sum3A_25 = vector.shape_cast %select_n3A_24 : vector<1x128xi32> to vector<1x1x128xi32>
    %reduce_sum3A_26 = arith.constant dense<0> : vector<1xi32>
    %reduce_sum3A_27 = vector.multi_reduction <add>, %reduce_sum3A_25, %reduce_sum3A_26 [1, 2] : vector<1x1x128xi32> to vector<1xi32>
    %reduce_sum3A_28 = vector.shape_cast %reduce_sum3A_27 : vector<1xi32> to vector<1x1x1xi32>
    %reduce_sum3A_29 = vector.extract %reduce_sum3A_28[0, 0, 0] : i32 from vector<1x1x1xi32>
    %sub3A = arith.constant 10240 : i32
    %sub3A_30 = arith.subi %sub3A, %reduce_sum3A_18 : i32
    %convert_element_type3A = arith.sitofp %sub3A_30 : i32 to f32
    %shift_right_arithmetic3A = arith.constant 31 : i32
    %shift_right_arithmetic3A_31 = arith.shrsi %reduce_sum3A_7, %shift_right_arithmetic3A : i32
    %and3A = arith.constant 2147483647 : i32
    %and3A_32 = arith.andi %shift_right_arithmetic3A_31, %and3A : i32
    %xor3A = arith.xori %reduce_sum3A_7, %and3A_32 : i32
    %bitcast_convert_type3A = arith.bitcast %xor3A : i32 to f32
    %get3A_33 = arith.constant 0 : index
    %get3A_34 = arith.constant 0 : index
    %get3A_35 = vector.load %arg1[%get3A_33, %get3A_34] : memref<2048x1xf32, #tpu.memory_space<vmem>>, vector<2048x1xf32>
    %get3A_36 = arith.constant 0 : index
    %get3A_37 = arith.constant 0 : index
    %get3A_38 = vector.load %arg2[%get3A_36, %get3A_37] : memref<1x2048xf32, #tpu.memory_space<vmem>>, vector<1x2048xf32>
    %add3A = arith.constant 127 : i32
    %add3A_39 = arith.addi %reduce_sum3A_29, %add3A : i32
    %shift_right_logical3A = arith.constant 7 : i32
    %shift_right_logical3A_40 = arith.shrui %add3A_39, %shift_right_logical3A : i32
    %broadcast_in_dim3A_41 = arith.constant 0.000000e+00 : f32
    %broadcast_in_dim3A_42 = vector.broadcast %broadcast_in_dim3A_41 : f32 to vector<1x128xf32>
    %while3A = arith.constant 0 : i32
    %while3A_43 = arith.subi %shift_right_logical3A_40, %while3A : i32
    %while3A_44 = arith.addi %while3A, %while3A_43 : i32
    %while3A_45 = arith.constant 1 : i32
    %while3A_46 = arith.divsi %while3A_43, %while3A_45 : i32
    %while3A_47 = arith.muli %while3A_46, %while3A_45 : i32
    %while3A_48 = arith.addi %while3A, %while3A_47 : i32
    %while3A_49 = arith.constant 1 : i32
    %while3A_50 = scf.for %while3A_154 = %while3A to %while3A_48 step %while3A_49 iter_args(%while3A_155 = %broadcast_in_dim3A_42) -> (vector<1x128xf32>)  : i32 {
      %mul3A_156 = arith.constant 128 : i32
      %mul3A_157 = arith.muli %while3A_154, %mul3A_156 : i32
      %get3A_158 = arith.constant 0 : index
      %get3A_159 = arith.index_cast %mul3A_157 : i32 to index
      %get3A_160 = vector.load %arg0[%get3A_158, %get3A_159] : memref<1x16384xf32, #tpu.memory_space<vmem>>, vector<1x128xf32>
      %mul3A_161 = arith.constant 128 : i32
      %mul3A_162 = arith.muli %while3A_154, %mul3A_161 : i32
      %iota3A_163 = tpu.iota {dimensions = array<i32: 1>} : vector<1x128xi32>
      %add3A_164 = vector.broadcast %mul3A_162 : i32 to vector<1x128xi32>
      %add3A_165 = arith.addi %add3A_164, %iota3A_163 : vector<1x128xi32>
      %lt3A = vector.broadcast %reduce_sum3A_29 : i32 to vector<1x128xi32>
      %lt3A_166 = arith.cmpi slt, %add3A_165, %lt3A : vector<1x128xi32>
      %jit3A_167 = arith.constant -1.000000e+09 : f32
      %broadcast_in_dim3A_168 = vector.broadcast %jit3A_167 : f32 to vector<1x128xf32>
      %select_n3A_169 = arith.select %lt3A_166, %get3A_160, %broadcast_in_dim3A_168 : vector<1x128xi1>, vector<1x128xf32>
      %sub3A_170 = arith.constant 3.000000e-01 : f32
      %sub3A_171 = vector.broadcast %sub3A_170 : f32 to vector<2048x1xf32>
      %sub3A_172 = arith.subf %sub3A_171, %get3A_35 : vector<2048x1xf32>
      %add3A_173 = vector.broadcast %select_n3A_169 : vector<1x128xf32> to vector<2048x128xf32>
      %add3A_174 = vector.broadcast %sub3A_172 : vector<2048x1xf32> to vector<2048x128xf32>
      %add3A_175 = arith.addf %add3A_173, %add3A_174 : vector<2048x128xf32>
      %max3A_176 = arith.constant 0.000000e+00 : f32
      %max3A_177 = vector.broadcast %max3A_176 : f32 to vector<2048x128xf32>
      %max3A_178 = arith.maximumf %add3A_175, %max3A_177 : vector<2048x128xf32>
      %reduce_sum3A_179 = arith.constant dense<0.000000e+00> : vector<128xf32>
      %reduce_sum3A_180 = vector.multi_reduction <add>, %max3A_178, %reduce_sum3A_179 [0] : vector<2048x128xf32> to vector<128xf32>
      %broadcast_in_dim3A_181 = vector.shape_cast %reduce_sum3A_180 : vector<128xf32> to vector<1x128xf32>
      %add3A_182 = arith.addf %while3A_155, %broadcast_in_dim3A_181 : vector<1x128xf32>
      scf.yield %add3A_182 : vector<1x128xf32>
    }
    %while3A_51 = arith.constant 1 : i32
    %while3A_52 = scf.for %while3A_154 = %while3A_48 to %while3A_44 step %while3A_51 iter_args(%while3A_155 = %while3A_50) -> (vector<1x128xf32>)  : i32 {
      %mul3A_156 = arith.constant 128 : i32
      %mul3A_157 = arith.muli %while3A_154, %mul3A_156 : i32
      %get3A_158 = arith.constant 0 : index
      %get3A_159 = arith.index_cast %mul3A_157 : i32 to index
      %get3A_160 = vector.load %arg0[%get3A_158, %get3A_159] : memref<1x16384xf32, #tpu.memory_space<vmem>>, vector<1x128xf32>
      %mul3A_161 = arith.constant 128 : i32
      %mul3A_162 = arith.muli %while3A_154, %mul3A_161 : i32
      %iota3A_163 = tpu.iota {dimensions = array<i32: 1>} : vector<1x128xi32>
      %add3A_164 = vector.broadcast %mul3A_162 : i32 to vector<1x128xi32>
      %add3A_165 = arith.addi %add3A_164, %iota3A_163 : vector<1x128xi32>
      %lt3A = vector.broadcast %reduce_sum3A_29 : i32 to vector<1x128xi32>
      %lt3A_166 = arith.cmpi slt, %add3A_165, %lt3A : vector<1x128xi32>
      %jit3A_167 = arith.constant -1.000000e+09 : f32
      %broadcast_in_dim3A_168 = vector.broadcast %jit3A_167 : f32 to vector<1x128xf32>
      %select_n3A_169 = arith.select %lt3A_166, %get3A_160, %broadcast_in_dim3A_168 : vector<1x128xi1>, vector<1x128xf32>
      %sub3A_170 = arith.constant 3.000000e-01 : f32
      %sub3A_171 = vector.broadcast %sub3A_170 : f32 to vector<2048x1xf32>
      %sub3A_172 = arith.subf %sub3A_171, %get3A_35 : vector<2048x1xf32>
      %add3A_173 = vector.broadcast %select_n3A_169 : vector<1x128xf32> to vector<2048x128xf32>
      %add3A_174 = vector.broadcast %sub3A_172 : vector<2048x1xf32> to vector<2048x128xf32>
      %add3A_175 = arith.addf %add3A_173, %add3A_174 : vector<2048x128xf32>
      %max3A_176 = arith.constant 0.000000e+00 : f32
      %max3A_177 = vector.broadcast %max3A_176 : f32 to vector<2048x128xf32>
      %max3A_178 = arith.maximumf %add3A_175, %max3A_177 : vector<2048x128xf32>
      %reduce_sum3A_179 = arith.constant dense<0.000000e+00> : vector<128xf32>
      %reduce_sum3A_180 = vector.multi_reduction <add>, %max3A_178, %reduce_sum3A_179 [0] : vector<2048x128xf32> to vector<128xf32>
      %broadcast_in_dim3A_181 = vector.shape_cast %reduce_sum3A_180 : vector<128xf32> to vector<1x128xf32>
      %add3A_182 = arith.addf %while3A_155, %broadcast_in_dim3A_181 : vector<1x128xf32>
      scf.yield %add3A_182 : vector<1x128xf32>
    }
    %reduce_sum3A_53 = vector.shape_cast %while3A_52 : vector<1x128xf32> to vector<1x1x128xf32>
    %reduce_sum3A_54 = arith.constant dense<0.000000e+00> : vector<1xf32>
    %reduce_sum3A_55 = vector.multi_reduction <add>, %reduce_sum3A_53, %reduce_sum3A_54 [1, 2] : vector<1x1x128xf32> to vector<1xf32>
    %reduce_sum3A_56 = vector.shape_cast %reduce_sum3A_55 : vector<1xf32> to vector<1x1x1xf32>
    %reduce_sum3A_57 = vector.extract %reduce_sum3A_56[0, 0, 0] : f32 from vector<1x1x1xf32>
    %bitcast_convert_type3A_58 = tpu.bitcast %get3A_38 : vector<1x2048xf32> -> vector<1x2048xi32>
    %shift_right_arithmetic3A_59 = arith.constant 31 : i32
    %shift_right_arithmetic3A_60 = vector.broadcast %shift_right_arithmetic3A_59 : i32 to vector<1x2048xi32>
    %shift_right_arithmetic3A_61 = arith.shrsi %bitcast_convert_type3A_58, %shift_right_arithmetic3A_60 : vector<1x2048xi32>
    %and3A_62 = arith.constant 2147483647 : i32
    %and3A_63 = vector.broadcast %and3A_62 : i32 to vector<1x2048xi32>
    %and3A_64 = arith.andi %shift_right_arithmetic3A_61, %and3A_63 : vector<1x2048xi32>
    %xor3A_65 = arith.xori %bitcast_convert_type3A_58, %and3A_64 : vector<1x2048xi32>
    %gt3A = vector.broadcast %reduce_sum3A_7 : i32 to vector<1x2048xi32>
    %gt3A_66 = arith.cmpi sgt, %xor3A_65, %gt3A : vector<1x2048xi32>
    %jit3A_67 = arith.constant -1.000000e+09 : f32
    %broadcast_in_dim3A_68 = vector.broadcast %jit3A_67 : f32 to vector<1x2048xf32>
    %select_n3A_69 = arith.select %gt3A_66, %get3A_38, %broadcast_in_dim3A_68 : vector<1x2048xi1>, vector<1x2048xf32>
    %sub3A_70 = arith.constant 3.000000e-01 : f32
    %sub3A_71 = vector.broadcast %sub3A_70 : f32 to vector<2048x1xf32>
    %sub3A_72 = arith.subf %sub3A_71, %get3A_35 : vector<2048x1xf32>
    %add3A_73 = vector.broadcast %select_n3A_69 : vector<1x2048xf32> to vector<2048x2048xf32>
    %add3A_74 = vector.broadcast %sub3A_72 : vector<2048x1xf32> to vector<2048x2048xf32>
    %add3A_75 = arith.addf %add3A_73, %add3A_74 : vector<2048x2048xf32>
    %max3A = arith.constant 0.000000e+00 : f32
    %max3A_76 = vector.broadcast %max3A : f32 to vector<2048x2048xf32>
    %max3A_77 = arith.maximumf %add3A_75, %max3A_76 : vector<2048x2048xf32>
    %reduce_sum3A_78 = vector.shape_cast %max3A_77 : vector<2048x2048xf32> to vector<1x2048x2048xf32>
    %reduce_sum3A_79 = arith.constant dense<0.000000e+00> : vector<1xf32>
    %reduce_sum3A_80 = vector.multi_reduction <add>, %reduce_sum3A_78, %reduce_sum3A_79 [1, 2] : vector<1x2048x2048xf32> to vector<1xf32>
    %reduce_sum3A_81 = vector.shape_cast %reduce_sum3A_80 : vector<1xf32> to vector<1x1x1xf32>
    %reduce_sum3A_82 = vector.extract %reduce_sum3A_81[0, 0, 0] : f32 from vector<1x1x1xf32>
    %sub3A_83 = arith.subf %reduce_sum3A_57, %reduce_sum3A_82 : f32
    %sub3A_84 = arith.constant 3.000000e-01 : f32
    %sub3A_85 = vector.broadcast %sub3A_84 : f32 to vector<2048x1xf32>
    %sub3A_86 = arith.subf %sub3A_85, %get3A_35 : vector<2048x1xf32>
    %add3A_87 = vector.broadcast %bitcast_convert_type3A : f32 to vector<2048x1xf32>
    %add3A_88 = arith.addf %add3A_87, %sub3A_86 : vector<2048x1xf32>
    %max3A_89 = arith.constant 0.000000e+00 : f32
    %max3A_90 = vector.broadcast %max3A_89 : f32 to vector<2048x1xf32>
    %max3A_91 = arith.maximumf %add3A_88, %max3A_90 : vector<2048x1xf32>
    %reduce_sum3A_92 = vector.shape_cast %max3A_91 : vector<2048x1xf32> to vector<1x2048x1xf32>
    %reduce_sum3A_93 = arith.constant dense<0.000000e+00> : vector<1xf32>
    %reduce_sum3A_94 = vector.multi_reduction <add>, %reduce_sum3A_92, %reduce_sum3A_93 [1, 2] : vector<1x2048x1xf32> to vector<1xf32>
    %reduce_sum3A_95 = vector.shape_cast %reduce_sum3A_94 : vector<1xf32> to vector<1x1x1xf32>
    %reduce_sum3A_96 = vector.extract %reduce_sum3A_95[0, 0, 0] : f32 from vector<1x1x1xf32>
    %mul3A = arith.mulf %convert_element_type3A, %reduce_sum3A_96 : f32
    %add3A_97 = arith.addf %sub3A_83, %mul3A : f32
    %div3A = arith.constant 0x4BA00000 : f32
    %div3A_98 = arith.divf %add3A_97, %div3A : f32
    %get3A_99 = arith.constant 0 : index
    %get3A_100 = arith.constant 0 : index
    %get3A_101 = vector.load %arg4[%get3A_99, %get3A_100] : memref<2048x48xf32, #tpu.memory_space<vmem>>, vector<2048x48xf32>
    %get3A_102 = arith.constant 0 : index
    %get3A_103 = arith.constant 0 : index
    %get3A_104 = vector.load %arg5[%get3A_102, %get3A_103] : memref<2048x1xi32, #tpu.memory_space<vmem>>, vector<2048x1xi32>
    %reduce_max3A = arith.constant dense<0xFF800000> : vector<2048xf32>
    %reduce_max3A_105 = vector.multi_reduction <maximumf>, %get3A_101, %reduce_max3A [1] : vector<2048x48xf32> to vector<2048xf32>
    %broadcast_in_dim3A_106 = vector.shape_cast %reduce_max3A_105 : vector<2048xf32> to vector<2048x1xf32>
    %sub3A_107 = vector.broadcast %broadcast_in_dim3A_106 : vector<2048x1xf32> to vector<2048x48xf32>
    %sub3A_108 = arith.subf %get3A_101, %sub3A_107 : vector<2048x48xf32>
    %exp3A = math.exp %sub3A_108 : vector<2048x48xf32>
    %reduce_sum3A_109 = arith.constant dense<0.000000e+00> : vector<2048xf32>
    %reduce_sum3A_110 = vector.multi_reduction <add>, %exp3A, %reduce_sum3A_109 [1] : vector<2048x48xf32> to vector<2048xf32>
    %broadcast_in_dim3A_111 = vector.shape_cast %reduce_sum3A_110 : vector<2048xf32> to vector<2048x1xf32>
    %log3A = math.log %broadcast_in_dim3A_111 : vector<2048x1xf32>
    %add3A_112 = arith.addf %broadcast_in_dim3A_106, %log3A : vector<2048x1xf32>
    %reduce_sum3A_113 = arith.constant dense<0.000000e+00> : vector<2048xf32>
    %reduce_sum3A_114 = vector.multi_reduction <add>, %get3A_101, %reduce_sum3A_113 [1] : vector<2048x48xf32> to vector<2048xf32>
    %broadcast_in_dim3A_115 = vector.shape_cast %reduce_sum3A_114 : vector<2048xf32> to vector<2048x1xf32>
    %mul3A_116 = arith.constant 4.800000e+01 : f32
    %mul3A_117 = vector.broadcast %mul3A_116 : f32 to vector<2048x1xf32>
    %mul3A_118 = arith.mulf %mul3A_117, %add3A_112 : vector<2048x1xf32>
    %sub3A_119 = arith.subf %broadcast_in_dim3A_115, %mul3A_118 : vector<2048x1xf32>
    %iota3A_120 = tpu.iota {dimensions = array<i32: 1>} : vector<2048x48xi32>
    %eq3A_121 = vector.broadcast %get3A_104 : vector<2048x1xi32> to vector<2048x48xi32>
    %eq3A_122 = arith.cmpi eq, %iota3A_120, %eq3A_121 : vector<2048x48xi32>
    %jit3A_123 = arith.constant 0.000000e+00 : f32
    %broadcast_in_dim3A_124 = vector.broadcast %jit3A_123 : f32 to vector<2048x48xf32>
    %select_n3A_125 = arith.select %eq3A_122, %get3A_101, %broadcast_in_dim3A_124 : vector<2048x48xi1>, vector<2048x48xf32>
    %reduce_sum3A_126 = arith.constant dense<0.000000e+00> : vector<2048xf32>
    %reduce_sum3A_127 = vector.multi_reduction <add>, %select_n3A_125, %reduce_sum3A_126 [1] : vector<2048x48xf32> to vector<2048xf32>
    %broadcast_in_dim3A_128 = vector.shape_cast %reduce_sum3A_127 : vector<2048xf32> to vector<2048x1xf32>
    %sub3A_129 = arith.subf %broadcast_in_dim3A_128, %add3A_112 : vector<2048x1xf32>
    %mul3A_130 = arith.constant 0.00212765951 : f32
    %mul3A_131 = vector.broadcast %mul3A_130 : f32 to vector<2048x1xf32>
    %mul3A_132 = arith.mulf %mul3A_131, %sub3A_119 : vector<2048x1xf32>
    %neg3A = arith.constant 0.000000e+00 : f32
    %neg3A_133 = vector.broadcast %neg3A : f32 to vector<2048x1xf32>
    %neg3A_134 = arith.subf %neg3A_133, %mul3A_132 : vector<2048x1xf32>
    %mul3A_135 = arith.constant 0.897872328 : f32
    %mul3A_136 = vector.broadcast %mul3A_135 : f32 to vector<2048x1xf32>
    %mul3A_137 = arith.mulf %mul3A_136, %sub3A_129 : vector<2048x1xf32>
    %sub3A_138 = arith.subf %neg3A_134, %mul3A_137 : vector<2048x1xf32>
    %reduce_sum3A_139 = vector.shape_cast %sub3A_138 : vector<2048x1xf32> to vector<1x2048x1xf32>
    %reduce_sum3A_140 = arith.constant dense<0.000000e+00> : vector<1xf32>
    %reduce_sum3A_141 = vector.multi_reduction <add>, %reduce_sum3A_139, %reduce_sum3A_140 [1, 2] : vector<1x2048x1xf32> to vector<1xf32>
    %reduce_sum3A_142 = vector.shape_cast %reduce_sum3A_141 : vector<1xf32> to vector<1x1x1xf32>
    %reduce_sum3A_143 = vector.extract %reduce_sum3A_142[0, 0, 0] : f32 from vector<1x1x1xf32>
    %div3A_144 = arith.constant 2.048000e+03 : f32
    %div3A_145 = arith.divf %reduce_sum3A_143, %div3A_144 : f32
    %mul3A_146 = arith.constant 5.000000e-01 : f32
    %mul3A_147 = arith.mulf %mul3A_146, %div3A_98 : f32
    %mul3A_148 = arith.constant 5.000000e-01 : f32
    %mul3A_149 = arith.mulf %mul3A_148, %div3A_145 : f32
    %add3A_150 = arith.addf %mul3A_147, %mul3A_149 : f32
    %broadcast_in_dim3A_151 = vector.broadcast %add3A_150 : f32 to vector<1x1xf32>
    %swap3A = arith.constant 0 : index
    %swap3A_152 = arith.constant 0 : index
    %swap3A_153 = vector.load %arg6[%swap3A, %swap3A_152] : memref<1x1xf32, #tpu.memory_space<vmem>>, vector<1x1xf32>
    tpu.vector_store %arg6[%swap3A, %swap3A_152], %broadcast_in_dim3A_151 {strides = array<i32>} : memref<1x1xf32, #tpu.memory_space<vmem>>, vector<1x1xf32>,
    return
  }
}

</mosaic_0001>

<sc_bundles>
// kernel: kernel.10.cloned.1.call-start
scs
__scs_entry_jumppad:
0x0: {  	(pc) =	sbr.rel $0x88, $3  }
0x1: {  	(tag) =	ssettag $0x0;
	lr =	simm.s32 $0x1  }
0x2: {  	[smem:$0x3F9D] =	sst lr;
	_ =	strace $0xD0000000  }
0x3: {  	_ = 	snop  }
0x4: {  	_ = 	snop  }
0x5: {  	_ = 	snop  }
0x6: {  	_ = 	snop  }
0x7: {  	_ = 	snop  }
__scs_overlays_trampoline_lowered:
0x8: {  	[smem:$0x3FAC] =	sst s0  }
0x9: {  	[smem:$0x3FAD] =	sst s1  }
0xa: {  	[smem:$0x3FAE] =	sst s2  }
0xb: {  	[smem:$0x3FAF] =	sst s3  }
0xc: {  	[smem:$0x3FB0] =	sst s4  }
0xd: {  	[smem:$0x3FB1] =	sst s5  }
0xe: {  	[smem:$0x3FB2] =	sst s6  }
0xf: {  	[smem:$0x3FB3] =	sst s7  }
0x10: {  	[smem:$0x3FB4] =	sst s8  }
0x11: {  	[smem:$0x3FB5] =	sst s9;
	s0 =	simm.s32 @!p0 $0x0  }
0x12: {  	s1 =	sld [smem:$0x3F9B];
	s0 =	simm.s32 @p0 $0x1  }
0x13: {  	[smem:$0x3FB6] =	sst s0;
	s0 =	simm.s32 @!p1 $0x0  }
0x14: {  	s2 =	sld [smem:$0x3F9A];
	s0 =	simm.s32 @p1 $0x1  }
0x15: {  	[smem:$0x3FB7] =	sst s0;
	s0 =	simm.s32 @!p2 $0x0  }
0x16: {  	s3 =	sld [smem:$0x3FDB];
	s0 =	simm.s32 @p2 $0x1  }
0x17: {  	s4 =	simm.s32 $0x1BF5;
	[smem:$0x3FB9] =	sst s0  }
0x18: {  	s0 =	sld [smem:$0x3F9C];
	_ =	swait.ge [sflag:s4], $0x0  }
0x19: {  	s7 =	sld [smem:$0x3F9D]  }
0x1a: {  	s8 =	sadd.s32 $0xFFFFE003, lr  }
0x1b: {  	s9 =	sadd.s32 $0xFFFFFEF7, lr;
	s5 =	simm.s32 $0xFFFFFFFF;
	p2 =	slt.u32 s8, $0xFFFFF086  }
0x1c: {  	p1 =	slt.u32 s9, $0xF7A;
	s5 =	simm.s32 @!p2 $0x0  }
0x1d: {  	s5 =	simm.s32 @p1 $0x1;
	p0 =	seq.s32 s7, s2  }
0x1e: {  	s7 =	smul.u32 @!p0 $0xF7A, s2;
	p2 =	seq.s32 @!p0 s5, $0x0  }
0x1f: {  	s9 =	smul.u32 $0xF7A, s1;
	s8 =	simm.s32 @!p0 $0x1BF5;
	p2 =	por !p2, p0  }
0x20: {  	[sflag:s8] =	ssyncset.s32 @!p0 $0xFFFFF086;
	s6 =	sadd.s32 @!p0 s3, s7;
	s7 =	simm.s32 @!p0 $0x108  }
0x21: {  	s3 =	sadd.s32 s3, s9;
	s6 =	sadd.s32 @!p0 $0x88, s6;
	s7 =	simm.s32 @p2 $0x1082  }
0x22: {  	[simem:s7], [sflag:s8] =	dma.local @!p0 [hbm:s6], $0xF7A  }
0x23: {  	s9 =	sor.u32 $0xD0000000, s2;
	s6 =	simm.s32 $0x108;
	_ =	swait.ge @!p0 [sflag:s8], $0x0  }
0x24: {  	s3 =	sadd.s32 $0x88, s3;
	s6 =	simm.s32 @!p1 $0x1082;
	[sflag:s4] =	ssyncset.s32 $0xFFFFF086  }
0x25: {  	[simem:s6], [sflag:s4] =	dma.local [hbm:s3], $0xF7A  }
0x26: {  	[smem:$0x3F9D] =	sst s1;
	(tag) =	ssettag s2;
	_ =	strace s9  }
0x27: {  	s1 =	sld [smem:$0x3FAD]  }
0x28: {  	s2 =	sld [smem:$0x3FAE]  }
0x29: {  	s4 =	sld [smem:$0x3FB0]  }
0x2a: {  	p0 =	seq.s32 s5, $0x0;
	s5 =	sld [smem:$0x3FB1]  }
0x2b: {  	s6 =	sld [smem:$0x3FB2]  }
0x2c: {  	s7 =	sld [smem:$0x3FB3]  }
0x2d: {  	s3 =	simm.s32 $0x108;
	s8 =	sld [smem:$0x3FB4]  }
0x2e: {  	s3 =	simm.s32 @!p0 $0x1082;
	s9 =	sld [smem:$0x3FB5]  }
0x2f: {  	lr =	sadd.s32 s0, s3;
	s0 =	sld [smem:$0x3FAC]  }
0x30: {  	s3 =	sld [smem:$0x3FAF]  }
0x31: {  	[smem:$0x3FB8] =	sst s10  }
0x32: {  	s10 =	sld [smem:$0x3FB6];
	_ =	sdelay $0x3  }
0x33: {  	p0 =	seq.s32 s10, $0x1;
	s10 =	sld [smem:$0x3FB8];
	_ =	sdelay $0x3  }
0x34: {  	[smem:$0x3FB8] =	sst s10  }
0x35: {  	s10 =	sld [smem:$0x3FB7];
	_ =	sdelay $0x3  }
0x36: {  	p1 =	seq.s32 s10, $0x1;
	s10 =	sld [smem:$0x3FB8];
	_ =	sdelay $0x3  }
0x37: {  	[smem:$0x3FB8] =	sst s10  }
0x38: {  	s10 =	sld [smem:$0x3FB9]  }
0x39: {  	_ = 	snop;
	(pc) =	sbr.ind lr, $3  }
0x3a: {  	_ = 	snop  }
0x3b: {  	_ = 	snop  }
0x3c: {  	p2 =	seq.s32 s10, $0x1;
	s10 =	sld [smem:$0x3FB8]  }
0x3d: {  	_ =	shalt  }
0x3e: {  	_ =	shalt  }
0x3f: {  	_ =	shalt  }
0x40: {  	_ =	shalt  }
0x41: {  	_ =	shalt  }
0x42: {  	_ =	shalt  }
0x43: {  	_ =	shalt  }
0x44: {  	_ =	shalt  }
0x45: {  	_ =	shalt  }
0x46: {  	_ =	shalt  }
0x47: {  	_ =	shalt  }
0x48: {  	_ =	shalt  }
0x49: {  	_ =	shalt  }
0x4a: {  	_ =	shalt  }
0x4b: {  	_ =	shalt  }
0x4c: {  	_ =	shalt  }
0x4d: {  	_ =	shalt  }
0x4e: {  	_ =	shalt  }
0x4f: {  	_ =	shalt  }
0x50: {  	_ =	shalt  }
0x51: {  	_ =	shalt  }
0x52: {  	_ =	shalt  }
0x53: {  	_ =	shalt  }
0x54: {  	_ =	shalt  }
0x55: {  	_ =	shalt  }
0x56: {  	_ =	shalt  }
0x57: {  	_ =	shalt  }
0x58: {  	_ =	shalt  }
0x59: {  	_ =	shalt  }
0x5a: {  	_ =	shalt  }
0x5b: {  	_ =	shalt  }
0x5c: {  	_ =	shalt  }
0x5d: {  	_ =	shalt  }
0x5e: {  	_ =	shalt  }
0x5f: {  	_ =	shalt  }
0x60: {  	_ =	shalt  }
0x61: {  	_ =	shalt  }
0x62: {  	_ =	shalt  }
0x63: {  	_ =	shalt  }
0x64: {  	_ =	shalt  }
0x65: {  	_ =	shalt  }
0x66: {  	_ =	shalt  }
0x67: {  	_ =	shalt  }
0x68: {  	_ =	shalt  }
0x69: {  	_ =	shalt  }
0x6a: {  	_ =	shalt  }
0x6b: {  	_ =	shalt  }
0x6c: {  	_ =	shalt  }
0x6d: {  	_ =	shalt  }
0x6e: {  	_ =	shalt  }
0x6f: {  	_ =	shalt  }
0x70: {  	_ =	shalt  }
0x71: {  	_ =	shalt  }
0x72: {  	_ =	shalt  }
0x73: {  	_ =	shalt  }
0x74: {  	_ =	shalt  }
0x75: {  	_ =	shalt  }
0x76: {  	_ =	shalt  }
0x77: {  	_ =	shalt  }
0x78: {  	_ =	shalt  }
0x79: {  	_ =	shalt  }
0x7a: {  	_ =	shalt  }
0x7b: {  	_ =	shalt  }
0x7c: {  	_ =	shalt  }
0x7d: {  	_ =	shalt  }
0x7e: {  	_ =	shalt  }
0x7f: {  	_ =	shalt  }
0x80: {  	_ =	shalt  }
0x81: {  	_ =	shalt  }
0x82: {  	_ =	shalt  }
0x83: {  	_ =	shalt  }
0x84: {  	_ =	shalt  }
0x85: {  	_ =	shalt  }
0x86: {  	_ =	shalt  }
0x87: {  	_ =	shalt  }
.Lfunc_end0:
.L_simem_size_0:
called_computation.1_lowered:
.L_overlay_start_0:
0x88: {  	s2 =	sld [smem:$0x3FD9]  }
0x89: {  	s3 =	sld [smem:$0x3FFE];
	_ =	sdelay $0x1  }
0x8a: {  	s1 =	srdreg.scid  }
0x8b: {  	s0 =	sand.u32 $0x1, s1  }
0x8c: {  	s16 =	sshll.u32 s0, $0xA;
	s2 =	sadd.s32 s3, s2  }
0x8d: {  	s2 =	sadd.s32 s2, s16  }
0x8e: {  	[smem:$0x3FC4] =	sst s2  }
0x8f: {  	_ = 	snop  }
0x90: {  	(tm) =	ssettm $0x1  }
0x91: {  	s17 =	sld [smem:$0x3FFB];
	_ =	sdelay $0x3  }
0x92: {  	_ =	strace s17  }
0x93: {  	s2 =	sld [smem:$0x3FFC];
	_ =	sdelay $0x3  }
0x94: {  	_ =	strace s2  }
0x95: {  	s2 =	sld [smem:$0x3FFD];
	_ =	sdelay $0x3  }
0x96: {  	_ =	strace s2  }
0x97: {  	_ =	strace $0x8FFFFFFF  }
0x98: {  	s18 =	sld [smem:$0x3FDB];
	_ =	sdelay $0x1  }
0x99: {  	s19 =	simm.s32 $_scs_section_size  }
0x9a: {  	s4 =	simm.s32 $_size__tile_overlayer_lowered;
	s5 =	simm.s32 $_tile_overlayer_lowered  }
0x9b: {  	s22 =	simm.s32 $0x1BFF;
	s21 =	sshll.u32 s5, $0x1;
	s2 =	sadd.s32 s19, s18  }
0x9c: {  	s6 =	simm.s32 $0x0;
	s20 =	sshll.u32 s4, $0x1;
	s4 =	sadd.s32 s21, s2  }
0x9d: {  	[timem:s6], [sflag:s22] =	dma.local [hbm:s4], s20  }
0x9e: {  	_ =	swait.ge [sflag:s22], s20  }
0x9f: {  	s3 =	ssub.s32 $0x0, s20;
	[sflag:s22] =	ssyncset.done $0x0  }
0xa0: {  	[sflag:s22] =	ssyncadd.s32 s3;
	_ =	sdelay $0x1  }
0xa1: {  	s23 =	simm.s32 $0x1B8B  }
0xa2: {  	_ =	swait.ge [sflag:s23], $0x1  }
0xa3: {  	[sflag:s23] =	ssyncset.done $0x0  }
0xa4: {  	s25 =	simm.s32 $0x1B8E;
	s24 =	sld [smem:$0x3FFE];
	[sflag:s23] =	ssyncadd.s32 $0xFFFFFFFF  }
0xa5: {  	s26 =	simm.s32 $execute0_lowered;
	[smem:$0x3FD2] =	sst s25  }
0xa6: {  	s4 =	sshll.u32 s26, $0x1;
	_ =	strace $0x80000049;
	[dreg:$0x1] =	wrdreg $0xFFFFFFFF  }
0xa7: {  	s28 =	simm.s32 $_size_execute0_lowered;
	s2 =	sadd.s32 s2, s4;
	[dreg:$0x0] =	wrdreg $0x0  }
0xa8: {  	s4 =	sshll.u32 s28, $0x1;
	[dreg:$0x2] =	wrdreg s2  }
0xa9: {  	[dreg:$0x3] =	wrdreg s4  }
0xaa: {  	[dreg:$0x4] =	wrdreg $0xC0  }
0xab: {  	_ =	task [dreg:s6], $0x5FFFF  }
0xac: {  	[dreg:$0x1] =	wrdreg $0xFFFFFFFF  }
0xad: {  	[dreg:$0x0] =	wrdreg $0x60  }
0xae: {  	[dreg:$0x2] =	wrdreg s24  }
0xaf: {  	[dreg:$0x3] =	wrdreg $0x9  }
0xb0: {  	_ =	task.clear_ibuf [dreg:s6], $0x4FFFF;
	_ =	strace $0x90000049  }
0xb1: {  	s29 =	simm.s32 $0x9;
	_ =	strace $0x8000004B  }
0xb2: {  	_ =	swait.ge [sflag:s29], $0x1  }
0xb3: {  	[sflag:s29] =	ssyncadd.s32 $0xFFFFFFFF  }
0xb4: {  	_ =	strace $0x9000004B  }
0xb5: {  	_ =	sfence  }
0xb6: {  	s30 =	sld [smem:$0x0];
	_ =	sdelay $0x2  }
0xb7: {  	s31 =	sshll.u32 s1, $0xD;
	s1 =	sshrl.u32 s1, $0x2  }
0xb8: {  	s3 =	sand.u32 $0x4000, s31;
	s1 =	sadd.s32 s1, s30  }
0xb9: {  	s0 =	sor.u32 s3, s0;
	s1 =	sshll.u32 s1, $0x11  }
0xba: {  	s0 =	sor.u32 s1, s0  }
0xbb: {  	s0 =	sadd.s32 $0x8F2B, s0  }
0xbc: {  	[sflag:s0] =	ssyncadd.remote.s32 $0x1  }
0xbd: {  	_ =	sfence.sel $0xFFFF  }
0xbe: {  	[dreg:$0x0] =	wrdreg $0xFFFFFFFF;
	(pc) =	sbr.abs _section_cstart, $3  }
0xbf: {  	[dreg:$0x1] =	wrdreg $0xFFFFFFFF  }
0xc0: {  	_ =	task.clear_ibuf [dreg:s6], $0x2FFFF;
	_ =	strace $0x9FFFFFFF  }
0xc1: {  	(tm) =	ssettm $0x7FFFFFFF  }
tec
execute0_lowered:
.L_overlay_start_1:
0x0: {  	(tag) =	ssettag $0x1  }
0x1: {  	s1 =	srdreg.scid;
	s0 =	stileid.u32  }
0x2: {  	s7 =	sand.u32 $0x1, s1;
	s31 =	sshll.u32 s0, $0x1  }
0x3: {  	s3 =	sor.u32 s7, s31  }
0x4: {  	s8 =	rddreg [dreg:$0x0];
	s2 =	simm.s32 $0x0;
	s4 =	smul.u32 $0x600, s3  }
0x5: {  	[smem:$0x7FF] =	sst s2  }
0x6: {  	s1 =	rddreg [dreg:$0x1];
	_ =	strace $0x8000004A;
	s4 =	sadd.s32 s4, s8  }
0x7: {  	s5 =	smul.u32 $0xC, s3;
	s3 =	sadd.s32 $0x21400, s4;
	s4 =	simm.s32 $0x2  }
0x8: {  	[tilespmem:s2], [sflag:$0x2] =	stream.linear.gather [hbm4b:s3+s2], $0x3000, $0x38;
	[tilespmem:$0x3060] =	vst v63  }
0x9: {  	s6 =	simm.s32 $0x3000;
	s7 =	ssub.s32 $0x2, s7;
	_ =	swait.ge [sflag:s4], $0x3000  }
0xa: {  	s9 =	sshrl.u32 s7, $0x1;
	s5 =	sadd.s32 s5, s8;
	[sflag:s4] =	ssyncset.done $0x0  }
0xb: {  	s9 =	ssub.s32 s7, s9;
	s5 =	sadd.s32 $0x2D400, s5;
	[sflag:s4] =	ssyncadd.s32 $0xFFFFD000  }
0xc: {  	[tilespmem:s6], [sflag:$0x2] =	stream.linear.gather [hbm4b:s5+s2], $0x60, $0x38;
	[tilespmem:$0x3060] =	vst v63  }
0xd: {  	s10 =	smax.u32 s9, $0x1;
	_ =	swait.ge [sflag:s4], $0x60  }
0xe: {  	s7 =	sadd.s32 $0x1400, s8;
	p0 =	sne.s32 s10, $0x1;
	[sflag:s4] =	ssyncset.done $0x0  }
.Ltmp0:
0xf: {  	[sflag:s4] =	ssyncadd.s32 $0xFFFFFFA0;
	(ifvalue) =	ssetifvalue $0xFFFFFFFF;
	(pc) =	sbr.rel @!p0 .LBB2_2-.Ltmp0, $4  }
0x10: {  	s9 =	simm.s32 $0x60;
	s8 =	simm.s32 $0x1;
	(ifvalue) =	ssetifvalue $0xFFFFFFFF  }
0x11: {  	[hbm4b:s7+s9] =	stream.indirect.scatter [tilespmem:s2], [sflag:$0x1], $0x80, s6, s9, $0x40b8;
	[tilespmem:$0x3060] =	vst v63  }
0x12: {  	_ =	swait.ge [sflag:s8], $0x3000  }
0x13: {  	s10 =	sadd.s32 $0xFFFFFFFF, s10;
	[sflag:s8] =	ssyncset.done $0x0  }
.LBB2_1:
0x14: {  	p0 =	sne.s32 s10, $0x1;
	s10 =	sadd.s32 $0xFFFFFFFF, s10;
	[sflag:s8] =	ssyncadd.s32 $0xFFFFD000  }
0x15: {  	[tilespmem:s2], [sflag:$0x2] =	stream.linear.gather [hbm4b:s3+s2], $0x3000, $0x38;
	[tilespmem:$0x3060] =	vst v63  }
0x16: {  	_ =	swait.ge [sflag:s4], $0x3000  }
0x17: {  	[sflag:s4] =	ssyncset.done $0x0  }
0x18: {  	[sflag:s4] =	ssyncadd.s32 $0xFFFFD000  }
0x19: {  	[tilespmem:s6], [sflag:$0x2] =	stream.linear.gather [hbm4b:s5+s2], $0x60, $0x38;
	[tilespmem:$0x3060] =	vst v63  }
0x1a: {  	_ =	swait.ge [sflag:s4], $0x60  }
0x1b: {  	[sflag:s4] =	ssyncset.done $0x0  }
0x1c: {  	[sflag:s4] =	ssyncadd.s32 $0xFFFFFFA0  }
.Ltmp1:
0x1d: {  	(ifvalue) =	ssetifvalue $0xFFFFFFFF;
	(pc) =	sbr.rel @p0 .LBB2_1-.Ltmp1, $4  }
0x1e: {  	(ifvalue) =	ssetifvalue $0xFFFFFFFF  }
0x1f: {  	[hbm4b:s7+s9] =	stream.indirect.scatter [tilespmem:s2], [sflag:$0x1], $0x80, s6, s9, $0x40b8;
	[tilespmem:$0x3060] =	vst v63  }
0x20: {  	_ =	swait.ge [sflag:s8], $0x3000  }
0x21: {  	[sflag:s8] =	ssyncset.done $0x0  }
.LBB2_2:
0x22: {  	[sflag:s8] =	ssyncadd.s32 $0xFFFFD000  }
0x23: {  	_ =	sfence.sel $0x180000  }
0x24: {  	[bflag:$0x0] =	sbarrier.arrive $0xFFFF  }
0x25: {  	p0 =	sne.s32 s0, $0x0;
	_ =	strace $0x9000004A  }
0x26: {  	s0 =	sadd.s32 @!p0 $0x100000, s1;
	[bflag:$0x2] =	sbarrier.arrive $0xFFFF  }
0x27: {  	[sflag:s0] =	ssyncadd.tile.s32 @!p0 $0x1;
	_ =	shalt  }
.Lfunc_end2:
_tile_overlayer_lowered:
.L_overlay_start_2:
0x28: {  	(tag) =	ssettag $0x2  }
0x29: {  	s0 =	rddreg [dreg:$0x0];
	s2 =	stileid.u32  }
0x2a: {  	s1 =	rddreg [dreg:$0x1];
	p0 =	sne.s32 s2, $0x0  }
0x2b: {  	s3 =	rddreg [dreg:$0x2];
	[bflag:$0x3] =	sbarrier.arrive $0xFFFF;
	s2 =	simm.s32 @!p0 $0x1C02  }
0x2c: {  	[timem:s3], [sflag:s2] =	dma.local @!p0 [hbm:s0], s1  }
0x2d: {  	s0 =	simm.s32 @!p0 $0x2  }
0x2e: {  	_ =	swait.ge @!p0 [sflag:s0], s1  }
0x2f: {  	s1 =	ssub.s32 @!p0 $0x0, s1;
	[sflag:s0] =	ssyncset.done @!p0 $0x0  }
0x30: {  	[sflag:s0] =	ssyncadd.s32 @!p0 s1  }
0x31: {  	[bflag:$0x3] =	sbarrier.arrive $0xFFFF  }
0x32: {  	_ =	shalt  }

// kernel: kernel.7.cloned.1.call-start
scs
__scs_entry_jumppad:
0x0: {  	(pc) =	sbr.rel $0x88, $3  }
0x1: {  	(tag) =	ssettag $0x0;
	lr =	simm.s32 $0x1  }
0x2: {  	[smem:$0x3F9D] =	sst lr;
	_ =	strace $0xD0000000  }
0x3: {  	_ = 	snop  }
0x4: {  	_ = 	snop  }
0x5: {  	_ = 	snop  }
0x6: {  	_ = 	snop  }
0x7: {  	_ = 	snop  }
__scs_overlays_trampoline_lowered:
0x8: {  	[smem:$0x3FAC] =	sst s0  }
0x9: {  	[smem:$0x3FAD] =	sst s1  }
0xa: {  	[smem:$0x3FAE] =	sst s2  }
0xb: {  	[smem:$0x3FAF] =	sst s3  }
0xc: {  	[smem:$0x3FB0] =	sst s4  }
0xd: {  	[smem:$0x3FB1] =	sst s5  }
0xe: {  	[smem:$0x3FB2] =	sst s6  }
0xf: {  	[smem:$0x3FB3] =	sst s7  }
0x10: {  	[smem:$0x3FB4] =	sst s8  }
0x11: {  	[smem:$0x3FB5] =	sst s9;
	s0 =	simm.s32 @!p0 $0x0  }
0x12: {  	s1 =	sld [smem:$0x3F9B];
	s0 =	simm.s32 @p0 $0x1  }
0x13: {  	[smem:$0x3FB6] =	sst s0;
	s0 =	simm.s32 @!p1 $0x0  }
0x14: {  	s2 =	sld [smem:$0x3F9A];
	s0 =	simm.s32 @p1 $0x1  }
0x15: {  	[smem:$0x3FB7] =	sst s0;
	s0 =	simm.s32 @!p2 $0x0  }
0x16: {  	s3 =	sld [smem:$0x3FDB];
	s0 =	simm.s32 @p2 $0x1  }
0x17: {  	s4 =	simm.s32 $0x1BF5;
	[smem:$0x3FB9] =	sst s0  }
0x18: {  	s0 =	sld [smem:$0x3F9C];
	_ =	swait.ge [sflag:s4], $0x0  }
0x19: {  	s7 =	sld [smem:$0x3F9D]  }
0x1a: {  	s8 =	sadd.s32 $0xFFFFE003, lr  }
0x1b: {  	s9 =	sadd.s32 $0xFFFFFEF7, lr;
	s5 =	simm.s32 $0xFFFFFFFF;
	p2 =	slt.u32 s8, $0xFFFFF086  }
0x1c: {  	p1 =	slt.u32 s9, $0xF7A;
	s5 =	simm.s32 @!p2 $0x0  }
0x1d: {  	s5 =	simm.s32 @p1 $0x1;
	p0 =	seq.s32 s7, s2  }
0x1e: {  	s7 =	smul.u32 @!p0 $0xF7A, s2;
	p2 =	seq.s32 @!p0 s5, $0x0  }
0x1f: {  	s9 =	smul.u32 $0xF7A, s1;
	s8 =	simm.s32 @!p0 $0x1BF5;
	p2 =	por !p2, p0  }
0x20: {  	[sflag:s8] =	ssyncset.s32 @!p0 $0xFFFFF086;
	s6 =	sadd.s32 @!p0 s3, s7;
	s7 =	simm.s32 @!p0 $0x108  }
0x21: {  	s3 =	sadd.s32 s3, s9;
	s6 =	sadd.s32 @!p0 $0x88, s6;
	s7 =	simm.s32 @p2 $0x1082  }
0x22: {  	[simem:s7], [sflag:s8] =	dma.local @!p0 [hbm:s6], $0xF7A  }
0x23: {  	s9 =	sor.u32 $0xD0000000, s2;
	s6 =	simm.s32 $0x108;
	_ =	swait.ge @!p0 [sflag:s8], $0x0  }
0x24: {  	s3 =	sadd.s32 $0x88, s3;
	s6 =	simm.s32 @!p1 $0x1082;
	[sflag:s4] =	ssyncset.s32 $0xFFFFF086  }
0x25: {  	[simem:s6], [sflag:s4] =	dma.local [hbm:s3], $0xF7A  }
0x26: {  	[smem:$0x3F9D] =	sst s1;
	(tag) =	ssettag s2;
	_ =	strace s9  }
0x27: {  	s1 =	sld [smem:$0x3FAD]  }
0x28: {  	s2 =	sld [smem:$0x3FAE]  }
0x29: {  	s4 =	sld [smem:$0x3FB0]  }
0x2a: {  	p0 =	seq.s32 s5, $0x0;
	s5 =	sld [smem:$0x3FB1]  }
0x2b: {  	s6 =	sld [smem:$0x3FB2]  }
0x2c: {  	s7 =	sld [smem:$0x3FB3]  }
0x2d: {  	s3 =	simm.s32 $0x108;
	s8 =	sld [smem:$0x3FB4]  }
0x2e: {  	s3 =	simm.s32 @!p0 $0x1082;
	s9 =	sld [smem:$0x3FB5]  }
0x2f: {  	lr =	sadd.s32 s0, s3;
	s0 =	sld [smem:$0x3FAC]  }
0x30: {  	s3 =	sld [smem:$0x3FAF]  }
0x31: {  	[smem:$0x3FB8] =	sst s10  }
0x32: {  	s10 =	sld [smem:$0x3FB6];
	_ =	sdelay $0x3  }
0x33: {  	p0 =	seq.s32 s10, $0x1;
	s10 =	sld [smem:$0x3FB8];
	_ =	sdelay $0x3  }
0x34: {  	[smem:$0x3FB8] =	sst s10  }
0x35: {  	s10 =	sld [smem:$0x3FB7];
	_ =	sdelay $0x3  }
0x36: {  	p1 =	seq.s32 s10, $0x1;
	s10 =	sld [smem:$0x3FB8];
	_ =	sdelay $0x3  }
0x37: {  	[smem:$0x3FB8] =	sst s10  }
0x38: {  	s10 =	sld [smem:$0x3FB9]  }
0x39: {  	_ = 	snop;
	(pc) =	sbr.ind lr, $3  }
0x3a: {  	_ = 	snop  }
0x3b: {  	_ = 	snop  }
0x3c: {  	p2 =	seq.s32 s10, $0x1;
	s10 =	sld [smem:$0x3FB8]  }
0x3d: {  	_ =	shalt  }
0x3e: {  	_ =	shalt  }
0x3f: {  	_ =	shalt  }
0x40: {  	_ =	shalt  }
0x41: {  	_ =	shalt  }
0x42: {  	_ =	shalt  }
0x43: {  	_ =	shalt  }
0x44: {  	_ =	shalt  }
0x45: {  	_ =	shalt  }
0x46: {  	_ =	shalt  }
0x47: {  	_ =	shalt  }
0x48: {  	_ =	shalt  }
0x49: {  	_ =	shalt  }
0x4a: {  	_ =	shalt  }
0x4b: {  	_ =	shalt  }
0x4c: {  	_ =	shalt  }
0x4d: {  	_ =	shalt  }
0x4e: {  	_ =	shalt  }
0x4f: {  	_ =	shalt  }
0x50: {  	_ =	shalt  }
0x51: {  	_ =	shalt  }
0x52: {  	_ =	shalt  }
0x53: {  	_ =	shalt  }
0x54: {  	_ =	shalt  }
0x55: {  	_ =	shalt  }
0x56: {  	_ =	shalt  }
0x57: {  	_ =	shalt  }
0x58: {  	_ =	shalt  }
0x59: {  	_ =	shalt  }
0x5a: {  	_ =	shalt  }
0x5b: {  	_ =	shalt  }
0x5c: {  	_ =	shalt  }
0x5d: {  	_ =	shalt  }
0x5e: {  	_ =	shalt  }
0x5f: {  	_ =	shalt  }
0x60: {  	_ =	shalt  }
0x61: {  	_ =	shalt  }
0x62: {  	_ =	shalt  }
0x63: {  	_ =	shalt  }
0x64: {  	_ =	shalt  }
0x65: {  	_ =	shalt  }
0x66: {  	_ =	shalt  }
0x67: {  	_ =	shalt  }
0x68: {  	_ =	shalt  }
0x69: {  	_ =	shalt  }
0x6a: {  	_ =	shalt  }
0x6b: {  	_ =	shalt  }
0x6c: {  	_ =	shalt  }
0x6d: {  	_ =	shalt  }
0x6e: {  	_ =	shalt  }
0x6f: {  	_ =	shalt  }
0x70: {  	_ =	shalt  }
0x71: {  	_ =	shalt  }
0x72: {  	_ =	shalt  }
0x73: {  	_ =	shalt  }
0x74: {  	_ =	shalt  }
0x75: {  	_ =	shalt  }
0x76: {  	_ =	shalt  }
0x77: {  	_ =	shalt  }
0x78: {  	_ =	shalt  }
0x79: {  	_ =	shalt  }
0x7a: {  	_ =	shalt  }
0x7b: {  	_ =	shalt  }
0x7c: {  	_ =	shalt  }
0x7d: {  	_ =	shalt  }
0x7e: {  	_ =	shalt  }
0x7f: {  	_ =	shalt  }
0x80: {  	_ =	shalt  }
0x81: {  	_ =	shalt  }
0x82: {  	_ =	shalt  }
0x83: {  	_ =	shalt  }
0x84: {  	_ =	shalt  }
0x85: {  	_ =	shalt  }
0x86: {  	_ =	shalt  }
0x87: {  	_ =	shalt  }
.Lfunc_end0:
.L_simem_size_0:
called_computation_lowered:
.L_overlay_start_0:
0x88: {  	s2 =	sld [smem:$0x3FD9]  }
0x89: {  	s3 =	sld [smem:$0x3FFE];
	_ =	sdelay $0x1  }
0x8a: {  	s1 =	srdreg.scid  }
0x8b: {  	s0 =	sand.u32 $0x1, s1  }
0x8c: {  	s17 =	sshll.u32 s0, $0xA;
	s2 =	sadd.s32 s3, s2  }
0x8d: {  	s2 =	sadd.s32 s2, s17  }
0x8e: {  	[smem:$0x3FC4] =	sst s2  }
0x8f: {  	_ = 	snop  }
0x90: {  	s2 =	sld [smem:$0x3FD0];
	(tm) =	ssettm $0x1  }
0x91: {  	s18 =	sld [smem:$0x3FFB];
	_ =	sdelay $0x3  }
0x92: {  	_ =	strace s18  }
0x93: {  	s3 =	sld [smem:$0x3FFC];
	_ =	sdelay $0x3  }
0x94: {  	_ =	strace s3  }
0x95: {  	s3 =	sld [smem:$0x3FFD];
	_ =	sdelay $0x3  }
0x96: {  	_ =	strace s3  }
0x97: {  	_ =	strace $0x8FFFFFFF  }
0x98: {  	s19 =	sld [smem:$0x3FDB];
	_ =	sdelay $0x1  }
0x99: {  	s4 =	simm.s32 $_scs_section_size  }
0x9a: {  	s5 =	simm.s32 $_size__tile_overlayer_lowered;
	s6 =	simm.s32 $_tile_overlayer_lowered  }
0x9b: {  	s22 =	simm.s32 $0x1BFF;
	s21 =	sshll.u32 s6, $0x1;
	s3 =	sadd.s32 s4, s19  }
0x9c: {  	s7 =	simm.s32 $0x0;
	s20 =	sshll.u32 s5, $0x1;
	s5 =	sadd.s32 s21, s3  }
0x9d: {  	[timem:s7], [sflag:s22] =	dma.local [hbm:s5], s20  }
0x9e: {  	_ =	swait.ge [sflag:s22], s20  }
0x9f: {  	s4 =	ssub.s32 $0x0, s20;
	[sflag:s22] =	ssyncset.done $0x0  }
0xa0: {  	[sflag:s22] =	ssyncadd.s32 s4;
	_ =	sdelay $0x1  }
0xa1: {  	s23 =	simm.s32 $0x1B8B  }
0xa2: {  	_ =	swait.ge [sflag:s23], $0x1  }
0xa3: {  	[sflag:s23] =	ssyncset.done $0x0  }
0xa4: {  	s25 =	simm.s32 $0x1B8E;
	s24 =	sld [smem:$0x3FFE];
	[sflag:s23] =	ssyncadd.s32 $0xFFFFFFFF  }
0xa5: {  	s26 =	simm.s32 $execute0_lowered;
	[smem:$0x3FD2] =	sst s25  }
0xa6: {  	s5 =	sshll.u32 s26, $0x1;
	_ =	strace $0x80000046;
	[dreg:$0x1] =	wrdreg $0xFFFFFFFF  }
0xa7: {  	s28 =	simm.s32 $_size_execute0_lowered;
	s3 =	sadd.s32 s3, s5;
	[dreg:$0x0] =	wrdreg $0x0  }
0xa8: {  	s5 =	sshll.u32 s28, $0x1;
	[dreg:$0x2] =	wrdreg s3  }
0xa9: {  	[dreg:$0x3] =	wrdreg s5  }
0xaa: {  	[dreg:$0x4] =	wrdreg $0xC0  }
0xab: {  	_ =	task [dreg:s7], $0x5FFFF  }
0xac: {  	[dreg:$0x1] =	wrdreg $0xFFFFFFFF  }
0xad: {  	[dreg:$0x0] =	wrdreg $0x60  }
0xae: {  	[dreg:$0x2] =	wrdreg s24  }
0xaf: {  	[dreg:$0x3] =	wrdreg s2  }
0xb0: {  	[dreg:$0x4] =	wrdreg $0x9  }
0xb1: {  	_ =	task.clear_ibuf [dreg:s7], $0x5FFFF;
	_ =	strace $0x90000046  }
0xb2: {  	s29 =	simm.s32 $0x9;
	_ =	strace $0x80000048  }
0xb3: {  	_ =	swait.ge [sflag:s29], $0x1  }
0xb4: {  	[sflag:s29] =	ssyncadd.s32 $0xFFFFFFFF  }
0xb5: {  	_ =	strace $0x90000048  }
0xb6: {  	_ =	sfence  }
0xb7: {  	s30 =	sld [smem:$0x0];
	_ =	sdelay $0x2  }
0xb8: {  	s31 =	sshll.u32 s1, $0xD;
	s1 =	sshrl.u32 s1, $0x2  }
0xb9: {  	s3 =	sand.u32 $0x4000, s31;
	s1 =	sadd.s32 s1, s30  }
0xba: {  	s0 =	sor.u32 s3, s0;
	s1 =	sshll.u32 s1, $0x11  }
0xbb: {  	s0 =	sor.u32 s1, s0  }
0xbc: {  	s0 =	sadd.s32 $0x8F2B, s0  }
0xbd: {  	[sflag:s0] =	ssyncadd.remote.s32 $0x1  }
0xbe: {  	_ =	sfence.sel $0xFFFF  }
0xbf: {  	[dreg:$0x0] =	wrdreg $0xFFFFFFFF;
	(pc) =	sbr.abs _section_cstart, $3  }
0xc0: {  	[dreg:$0x1] =	wrdreg $0xFFFFFFFF  }
0xc1: {  	_ =	task.clear_ibuf [dreg:s7], $0x2FFFF;
	_ =	strace $0x9FFFFFFF  }
0xc2: {  	(tm) =	ssettm $0x7FFFFFFF  }
0xc3: {  	_ =	shalt  }
tec
execute0_lowered:
.L_overlay_start_1:
0x0: {  	(tag) =	ssettag $0x1  }
0x1: {  	s4 =	rddreg [dreg:$0x0]  }
0x2: {  	s2 =	rddreg [dreg:$0x1]  }
0x3: {  	s0 =	rddreg [dreg:$0x2];
	s5 =	srdreg.scid  }
0x4: {  	s1 =	stileid.u32;
	s3 =	simm.s32 $0x0;
	s9 =	simm.s32 $0x8000  }
0x5: {  	s10 =	simm.s32 $0x0;
	s5 =	sand.u32 $0x1, s5;
	s6 =	sshll.u32 s1, $0x1  }
0x6: {  	[smem:$0x7FF] =	sst s3;
	s6 =	sor.u32 s5, s6;
	s5 =	ssub.s32 $0x2, s5  }
0x7: {  	s7 =	sshll.u32 s6, $0xC;
	s6 =	smul.u32 $0x600, s6;
	s8 =	sshrl.u32 s5, $0x1  }
0x8: {  	_ =	strace $0x80000047;
	s7 =	sadd.s32 s7, s4;
	s8 =	ssub.s32 s5, s8  }
0x9: {  	s6 =	sadd.s32 s6, s4;
	s4 =	sadd.s32 $0x1400, s7;
	s7 =	simm.s32 $0xB000  }
0xa: {  	v0 =	vimm.f32 $-1.000000000e+09;
	v1 =	vimm.s32 $0x0;
	s5 =	sadd.s32 $0x21400, s6;
	s6 =	smax.u32 s8, $0x1;
	s8 =	simm.s32 $0x1  }
.LBB2_1:
0xb: {  	[tilespmem:s7], [sflag:$0x1] =	stream.linear.gather [hbm4b:s2+s3], $0x10, $0x38;
	[tilespmem:$0xB010] =	vst v63  }
0xc: {  	_ =	swait.ge [sflag:s8], $0x10  }
0xd: {  	[sflag:s8] =	ssyncset.done $0x0  }
0xe: {  	[sflag:s8] =	ssyncadd.s32 $0xFFFFFFF0  }
0xf: {  	v2 =	vld [tilespmem:$0xB000];
	[tilespmem:s3], [sflag:$0x1] =	stream.linear.gather [hbm4b:s4+s3], $0x8000, $0x38  }
0x10: {  	_ =	swait.ge [sflag:s8], $0x8000  }
0x11: {  	[sflag:s8] =	ssyncset.done $0x0  }
0x12: {  	s11 =	simm.s32 $0x0;
	[sflag:s8] =	ssyncadd.s32 $0xFFFF8000  }
.LBB2_2:
0x13: {  	p0 =	sne.s32 s11, $0xBFC0  }
.Ltmp0:
0x14: {  	_ = 	snop;
	(pc) =	sbr.rel @p0 .LBB2_2-.Ltmp0, $3  }
0x15: {  	_ =	sdelay $0x1  }
0x16: {  	s12 =	sshra.s32 s11, $0x2  }
0x17: {  	s11 =	sadd.s32 $0x40, s11;
	[tilespmem:s12+$0x8000] =	vst v0  }
0x18: {  	s11 =	simm.s32 $0x0;
	s13 =	simm.s32 $0x0;
	s12 =	simm.s32 $0x80  }
.LBB2_4:
0x19: {  	p0 =	sne.s32 s12, $0x1FF80;
	v3 =	vld [tilespmem:s13+$0x0]  }
0x1a: {  	v4 =	vld [tilespmem:s13+$0x10];
	_ =	sdelay $0x3  }
0x1b: {  	v5 =	vshra.s32 v3, $0x1F  }
0x1c: {  	v5 =	vand.u32 $0x7FFFFFFF, v5;
	v6 =	vshra.s32 v4, $0x1F  }
0x1d: {  	v5 =	vxor.u32 v3, v5;
	v6 =	vand.u32 $0x7FFFFFFF, v6  }
0x1e: {  	v6 =	vxor.u32 v4, v6;
	vm1 =	vgt.s32 v5, v2  }
0x1f: {  	vm0 =	vgt.s32 v6, v2;
	v5 =	vsel vm1, $0x1, v1  }
0x20: {  	v6 =	vsel vm0, $0x1, v1;
	(xrf0) =	vadd.scan.msk.s32 $0xffff, v5  }
0x21: {  	(xrf0) =	vadd.scan.msk.s32 $0xffff, v6;
	_ =	sdelay $0x4  }
0x22: {  	v5, _, _ =	vpop (xrf0)  }
0x23: {  	(v2sf) =	vpush v5, $0xF;
	v6, _, _ =	vpop (xrf0)  }
0x24: {  	(v2sf) =	vpush v6, $0xF;
	_ =	sdelay $0xd  }
0x25: {  	s13 =	spop (v2sf)  }
0x26: {  	v7 =	vmov s11;
	s11 =	sadd.s32 s11, s13;
	s13 =	spop (v2sf)  }
0x27: {  	v7 =	vadd.s32 $0xFFFFFFFF, v7;
	v8 =	vmov s11;
	s11 =	sadd.s32 s13, s11  }
0x28: {  	v7 =	vbroadcast v7, $0x0;
	v8 =	vadd.s32 $0xFFFFFFFF, v8  }
0x29: {  	v8 =	vbroadcast v8, $0x0  }
0x2a: {  	v5 =	vadd.s32 v5, v7  }
0x2b: {  	v6 =	vadd.s32 v6, v8  }
.Ltmp1:
0x2c: {  	(pc) =	sbr.rel @p0 .LBB2_4-.Ltmp1, $3  }
0x2d: {  	_ =	sdelay $0x1  }
0x2e: {  	[tilespmem:v5+s9+$0x0] =	vst.idx.msk vm1, v3  }
0x2f: {  	s13 =	sshra.s32 s12, $0x2;
	s12 =	sadd.s32 $0x80, s12;
	[tilespmem:v6+s9+$0x0] =	vst.idx.msk vm0, v4  }
0x30: {  	v3 =	vld [tilespmem:s13+$0x0];
	_ =	sdelay $0x4  }
0x31: {  	v4 =	vshra.s32 v3, $0x1F  }
0x32: {  	v4 =	vand.u32 $0x7FFFFFFF, v4  }
0x33: {  	v4 =	vxor.u32 v3, v4  }
0x34: {  	vm0 =	vgt.s32 v4, v2  }
0x35: {  	v4 =	vsel vm0, $0x1, v1  }
0x36: {  	(xrf0) =	vadd.scan.msk.s32 $0xffff, v4  }
0x37: {  	v62 =	vld [tilespmem:s13+$0x10];
	_ =	sdelay $0x4  }
0x38: {  	v5 =	vshra.s32 v62, $0x1F;
	v6, _, _ =	vpop (xrf0)  }
0x39: {  	v5 =	vand.u32 $0x7FFFFFFF, v5;
	(v2sf) =	vpush v6, $0xF  }
0x3a: {  	v5 =	vxor.u32 v62, v5  }
0x3b: {  	vm1 =	vgt.s32 v5, v2  }
0x3c: {  	v2 =	vsel vm1, $0x1, v1  }
0x3d: {  	(xrf0) =	vadd.scan.msk.s32 $0xffff, v2;
	_ =	sdelay $0x5  }
0x3e: {  	v2, _, _ =	vpop (xrf0)  }
0x3f: {  	(v2sf) =	vpush v2, $0xF;
	_ =	sdelay $0x3  }
0x40: {  	s12 =	spop (v2sf)  }
0x41: {  	v63 =	vmov s11;
	s30 =	sadd.s32 s11, s12  }
0x42: {  	v5 =	vadd.s32 $0xFFFFFFFF, v63;
	v7 =	vmov s30  }
0x43: {  	v5 =	vbroadcast v5, $0x0;
	v7 =	vadd.s32 $0xFFFFFFFF, v7  }
0x44: {  	v7 =	vbroadcast v7, $0x0  }
0x45: {  	v5 =	vadd.s32 v6, v5  }
0x46: {  	v2 =	vadd.s32 v2, v7;
	_ =	sdelay $0x2  }
0x47: {  	s10 =	sadd.s32 $0x1, s10  }
0x48: {  	p0 =	sne.s32 s10, s6;
	[tilespmem:v5+s9+$0x0] =	vst.idx.msk vm0, v3  }
.Ltmp2:
0x49: {  	s31 =	spop (v2sf);
	[tilespmem:v2+s9+$0x0] =	vst.idx.msk vm1, v62;
	(pc) =	sbr.rel @p0 .LBB2_1-.Ltmp2, $4  }
0x4a: {  	[hbm4b:s5+s3] =	stream.linear.scatter [tilespmem:s9], [sflag:$0x1], $0x3000, $0x38;
	[tilespmem:$0xB010] =	vst v63  }
0x4b: {  	_ =	swait.ge [sflag:s8], $0x3000  }
0x4c: {  	[sflag:s8] =	ssyncset.done $0x0  }
0x4d: {  	[sflag:s8] =	ssyncadd.s32 $0xFFFFD000  }
0x4e: {  	_ =	sfence.sel $0x180000  }
0x4f: {  	[bflag:$0x0] =	sbarrier.arrive $0xFFFF  }
0x50: {  	p0 =	sne.s32 s1, $0x0;
	_ =	strace $0x90000047  }
0x51: {  	s0 =	sadd.s32 @!p0 $0x100000, s0;
	[bflag:$0x2] =	sbarrier.arrive $0xFFFF  }
0x52: {  	[sflag:s0] =	ssyncadd.tile.s32 @!p0 $0x1;
	_ =	shalt  }
.Lfunc_end2:
_tile_overlayer_lowered:
.L_overlay_start_2:
0x53: {  	(tag) =	ssettag $0x2  }
0x54: {  	s0 =	rddreg [dreg:$0x0];
	s2 =	stileid.u32  }
0x55: {  	s1 =	rddreg [dreg:$0x1];
	p0 =	sne.s32 s2, $0x0  }
0x56: {  	s3 =	rddreg [dreg:$0x2];
	[bflag:$0x3] =	sbarrier.arrive $0xFFFF;
	s2 =	simm.s32 @!p0 $0x1C01  }
0x57: {  	[timem:s3], [sflag:s2] =	dma.local @!p0 [hbm:s0], s1  }
0x58: {  	s0 =	simm.s32 @!p0 $0x1  }
0x59: {  	_ =	swait.ge @!p0 [sflag:s0], s1  }
0x5a: {  	s1 =	ssub.s32 @!p0 $0x0, s1;
	[sflag:s0] =	ssyncset.done @!p0 $0x0  }
0x5b: {  	[sflag:s0] =	ssyncadd.s32 @!p0 s1  }
0x5c: {  	[bflag:$0x3] =	sbarrier.arrive $0xFFFF  }
0x5d: {  	_ =	shalt  }

</sc_bundles>
